<compile_context>
chip_gen: v7x
topology: tpu7x:2x2x1
jax: 0.10.2.dev20260603
libtpu: 0.0.44.dev20260713+nightly
codegen_flags: <defaults>
</compile_context>

<pallas_src>
import functools

import jax
import jax.numpy as jnp
from jax import lax
from jax.experimental import pallas as pl
from jax.experimental.pallas import tpu as pltpu
from jax.experimental.pallas import tpu_sc as plsc

FEAT_DIM = 80
DEPTH_CHANNELS = 112
X_BOUND = (-50.0, 50.0, 0.5)
Y_BOUND = (-50.0, 50.0, 0.5)
NX = 200
NY = 200
DEPTH_MIN = 1.0
DEPTH_MAX = 57.0

NW = 32
NVOX = NX * NY
ROWS = NVOX // NW
CHUNK = 2048
VECS = CHUNK // 16
UNROLL = 8
GDEPTH = 4


def _point_meta(intrinsics, extrinsics, feat_h, feat_w, img_h, img_w):
    D = DEPTH_CHANNELS
    depth_bins = jnp.linspace(DEPTH_MIN, DEPTH_MAX, D)
    ys, xs = jnp.meshgrid(jnp.arange(feat_h, dtype=jnp.float32),
                          jnp.arange(feat_w, dtype=jnp.float32), indexing='ij')
    ds = jnp.broadcast_to(depth_bins[:, None, None], (D, feat_h, feat_w))
    xs = jnp.broadcast_to(xs[None], (D, feat_h, feat_w)) * (img_w / feat_w)
    ys = jnp.broadcast_to(ys[None], (D, feat_h, feat_w)) * (img_h / feat_h)
    frustum = jnp.stack([xs, ys, ds], axis=-1)
    pts = frustum.reshape(-1, 3)
    pts = jnp.stack([pts[:, 0] * pts[:, 2], pts[:, 1] * pts[:, 2], pts[:, 2]], axis=-1)
    inv_K = jnp.linalg.inv(intrinsics)
    cam = jnp.einsum('bnij,pj->bnpi', inv_K, pts)
    ones = jnp.ones_like(cam[..., :1])
    cam_h = jnp.concatenate([cam, ones], axis=-1)
    ego = jnp.einsum('bnij,bnpj->bnpi', extrinsics, cam_h)
    geom = ego[..., :3]
    x_idx = ((geom[..., 0] - X_BOUND[0]) / X_BOUND[2]).astype(jnp.int32)
    y_idx = ((geom[..., 1] - Y_BOUND[0]) / Y_BOUND[2]).astype(jnp.int32)
    valid = (x_idx >= 0) & (x_idx < NX) & (y_idx >= 0) & (y_idx < NY)
    lin = (x_idx * NY + y_idx).reshape(-1)
    valid = valid.reshape(-1)
    P = lin.shape[0]
    hw = feat_h * feat_w
    pidx = jnp.arange(P, dtype=jnp.int32)
    col = (pidx // (D * hw)) * hw + pidx % hw
    owner = jnp.where(valid, lin & (NW - 1), NW)
    row = jnp.where(valid, lin >> 5, 0)
    return (owner << 24) | (row << 13) | col


def _sc_body(meta_hbm, w_hbm, ctx_hbm, out_hbm,
             acc, meta_v, w_v, hit_meta, hit_w, ctxbuf, msem, wsem, gsem):
    t = lax.axis_index("s") * 2 + lax.axis_index("c")
    nchunks = meta_hbm.shape[0] // CHUNK

    def zero_body(i, _):
        acc[pl.ds(i * 16, 16)] = jnp.zeros((16,), jnp.float32)
        return 0
    lax.fori_loop(0, ROWS * FEAT_DIM // 16, zero_body, 0)

    def zero_hits(i, _):
        hit_meta[pl.ds(i * 16, 16)] = jnp.zeros((16,), jnp.int32)
        return 0
    lax.fori_loop(0, (CHUNK + 32) // 16, zero_hits, 0)

    def chunk_copies(ci, b):
        src = meta_hbm.at[pl.ds(ci * CHUNK, CHUNK)]
        cm = pltpu.make_async_copy(src, meta_v.at[pl.ds(b * CHUNK, CHUNK)], msem.at[b])
        srcw = w_hbm.at[pl.ds(ci * CHUNK, CHUNK)]
        cw = pltpu.make_async_copy(srcw, w_v.at[pl.ds(b * CHUNK, CHUNK)], wsem.at[b])
        return cm, cw

    def issue_chunk(ci, b):
        @pl.when(ci < nchunks)
        def _():
            cm, cw = chunk_copies(ci, b)
            cm.start()
            cw.start()

    issue_chunk(0, 0)

    def chunk_body(ci, _):
        b = ci & 1
        issue_chunk(ci + 1, 1 - b)
        cm, cw = chunk_copies(ci, b)
        cm.wait()
        cw.wait()
        mbase = b * CHUNK

        def scan_body(u, nh):
            for k in range(UNROLL):
                off = mbase + (u * UNROLL + k) * 16
                m = meta_v[pl.ds(off, 16)]
                own = (m >> 24) == t
                plsc.store_compressed(hit_meta.at[pl.ds(nh, 16)], m, mask=own)
                w = w_v[pl.ds(off, 16)]
                plsc.store_compressed(hit_w.at[pl.ds(nh, 16)], w, mask=own)
                nh = nh + plsc.all_reduce_population_count(own)[0]
            return nh

        nh = lax.fori_loop(0, VECS // UNROLL, scan_body, 0)
        ngroups = (nh + 15) >> 4

        def gather_copy(g, gb):
            mv = hit_meta[pl.ds(g * 16, 16)]
            colv = mv & 0x1FFF
            return pltpu.make_async_copy(ctx_hbm.at[colv],
                                         ctxbuf.at[pl.ds(gb * 16, 16)], gsem.at[gb])

        def issue_gather(g, gb):
            @pl.when(g < ngroups)
            def _():
                gather_copy(g, gb).start()

        for pg in range(GDEPTH):
            issue_gather(pg, pg)

        def group_body(g, _):
            gb = g & (GDEPTH - 1)
            gather_copy(g, gb).wait()
            cnt = jnp.minimum(nh - g * 16, 16)
            cbase = gb * 16

            def hit_body(i, _):
                m = hit_meta[pl.ds(g * 16 + i, 16)][0]
                wsc = hit_w[pl.ds(g * 16 + i, 16)][0]
                base = ((m >> 13) & 0x7FF) * FEAT_DIM
                for q in range(FEAT_DIM // 16):
                    plsc.addupdate(acc.at[pl.ds(base + q * 16, 16)],
                                   wsc * ctxbuf[cbase + i, pl.ds(q * 16, 16)])
                return 0

            lax.fori_loop(0, cnt, hit_body, 0)
            issue_gather(g + GDEPTH, gb)
            return 0

        lax.fori_loop(0, ngroups, group_body, 0)
        return 0

    lax.fori_loop(0, nchunks, chunk_body, 0)
    pltpu.sync_copy(acc, out_hbm.at[t])


def kernel(image_features, depth_dist, context_features, intrinsics, extrinsics, img_h, img_w):
    Bb, Nn, C, Hh, Ww = context_features.shape
    meta = _point_meta(intrinsics, extrinsics, Hh, Ww, img_h, img_w)
    w_flat = depth_dist.reshape(-1)
    ctx = jnp.transpose(context_features, (0, 1, 3, 4, 2)).reshape(Nn * Hh * Ww, C)

    mesh = plsc.VectorSubcoreMesh(core_axis_name="c", subcore_axis_name="s")
    sc = functools.partial(
        pl.kernel, _sc_body, mesh=mesh,
        compiler_params=pltpu.CompilerParams(needs_layout_passes=False,
                                             use_tc_tiling_on_sc=False),
        out_type=jax.ShapeDtypeStruct((NW, ROWS * FEAT_DIM), jnp.float32),
        scratch_types=[
            pltpu.VMEM((ROWS * FEAT_DIM,), jnp.float32),
            pltpu.VMEM((2 * CHUNK,), jnp.int32),
            pltpu.VMEM((2 * CHUNK,), jnp.float32),
            pltpu.VMEM((CHUNK + 32,), jnp.int32),
            pltpu.VMEM((CHUNK + 32,), jnp.float32),
            pltpu.VMEM((GDEPTH * 16, FEAT_DIM), jnp.float32),
            pltpu.SemaphoreType.DMA((2,)),
            pltpu.SemaphoreType.DMA((2,)),
            pltpu.SemaphoreType.DMA((GDEPTH,)),
        ],
    )()
    out = sc(meta, w_flat, ctx)

    bev = out.reshape(NW, ROWS, C).transpose(1, 0, 2).reshape(NX, NY, C)
    return jnp.transpose(bev, (2, 0, 1))[None]

# --- scband reference (transcript-rebuilt; emitter-appended) ---
"""Pipeline reference for scband-lift-splat-62869731279372 (READ-ONLY COPY).

The authoritative reference and input builder live on the scoring server;
editing this copy changes nothing except your own understanding.
"""

import jax, jax.numpy as jnp
import numpy as np

FEAT_DIM = 80
DEPTH_CHANNELS = 112
X_BOUND = (-50.0, 50.0, 0.5)
Y_BOUND = (-50.0, 50.0, 0.5)
NX = 200
NY = 200
DEPTH_MIN = 1.0
DEPTH_MAX = 57.0
B, N, H, W = 1, 6, 16, 44


def _make_calibration():
    fx = fy = 560.0
    cx, cy = 352.0, 128.0
    K = np.array([[fx, 0.0, cx], [0.0, fy, cy], [0.0, 0.0, 1.0]], dtype=np.float32)
    intrinsics = np.broadcast_to(K, (B, N, 3, 3)).copy()
    R0 = np.array([[0.0, 0.0, 1.0], [-1.0, 0.0, 0.0], [0.0, -1.0, 0.0]], dtype=np.float32)
    extrinsics = np.zeros((B, N, 4, 4), dtype=np.float32)
    for n in range(N):
        yaw = 2.0 * np.pi * n / N
        c, s = np.cos(yaw), np.sin(yaw)
        Rz = np.array([[c, -s, 0.0], [s, c, 0.0], [0.0, 0.0, 1.0]], dtype=np.float32)
        Rcam = Rz @ R0
        E = np.eye(4, dtype=np.float32)
        E[:3, :3] = Rcam
        E[:3, 3] = np.array([1.5 * c, 1.5 * s, 1.6], dtype=np.float32)
        extrinsics[:, n] = E
    return jnp.asarray(intrinsics), jnp.asarray(extrinsics)


def setup_inputs(seed: int = 0):
    key = jax.random.key(seed)
    k1, k2, k3 = jax.random.split(key, 3)
    image_features = jax.random.normal(k1, (B, N, FEAT_DIM, H, W), dtype=jnp.float32)
    depth_dist = jax.random.uniform(k2, (B, N, DEPTH_CHANNELS, H, W), dtype=jnp.float32)
    context_features = jax.random.normal(k3, (B, N, FEAT_DIM, H, W), dtype=jnp.float32)
    intrinsics, extrinsics = _make_calibration()
    return {"image_features": image_features, "depth_dist": depth_dist, "context_features": context_features, "intrinsics": intrinsics, "extrinsics": extrinsics, "img_h": 256, "img_w": 704}


def _get_geometry(intrinsics, extrinsics, feat_h, feat_w, img_h, img_w):
    Bb, Nn = intrinsics.shape[0], intrinsics.shape[1]
    D = DEPTH_CHANNELS
    depth_bins = jnp.linspace(DEPTH_MIN, DEPTH_MAX, D)
    ys, xs = jnp.meshgrid(jnp.arange(feat_h, dtype=jnp.float32), jnp.arange(feat_w, dtype=jnp.float32), indexing='ij')
    ds = jnp.broadcast_to(depth_bins[:, None, None], (D, feat_h, feat_w))
    xs = jnp.broadcast_to(xs[None], (D, feat_h, feat_w)) * (img_w / feat_w)
    ys = jnp.broadcast_to(ys[None], (D, feat_h, feat_w)) * (img_h / feat_h)
    frustum = jnp.stack([xs, ys, ds], axis=-1)
    pts = frustum.reshape(-1, 3)
    pts = jnp.stack([pts[:, 0] * pts[:, 2], pts[:, 1] * pts[:, 2], pts[:, 2]], axis=-1)
    inv_K = jnp.linalg.inv(intrinsics)
    cam = jnp.einsum('bnij,pj->bnpi', inv_K, pts)
    ones = jnp.ones_like(cam[..., :1])
    cam_h = jnp.concatenate([cam, ones], axis=-1)
    ego = jnp.einsum('bnij,bnpj->bnpi', extrinsics, cam_h)
    geom = ego[..., :3].reshape(Bb, Nn, D, feat_h, feat_w, 3)
    return geom


def _voxel_pooling(geom, features):
    Bb, Nn, D, Hh, Ww, C = features.shape
    x_idx = ((geom[..., 0] - X_BOUND[0]) / X_BOUND[2]).astype(jnp.int32)
    y_idx = ((geom[..., 1] - Y_BOUND[0]) / Y_BOUND[2]).astype(jnp.int32)
    valid = (x_idx >= 0) & (x_idx < NX) & (y_idx >= 0) & (y_idx < NY)
    batch_idx = jnp.broadcast_to(jnp.arange(Bb, dtype=jnp.int32)[:, None, None, None, None], (Bb, Nn, D, Hh, Ww))
    lin = batch_idx * (NX * NY) + x_idx * NY + y_idx
    lin = jnp.where(valid, lin, 0)
    feats = features * valid[..., None].astype(features.dtype)
    bev = jnp.zeros((Bb * NX * NY, C), dtype=features.dtype)
    bev = bev.at[lin.reshape(-1)].add(feats.reshape(-1, C))
    bev = bev.reshape(Bb, NX, NY, C)
    return jnp.transpose(bev, (0, 3, 1, 2))


def reference(image_features, depth_dist, context_features, intrinsics, extrinsics, img_h, img_w):
    Bb, Nn, C, Hh, Ww = context_features.shape
    geom = _get_geometry(intrinsics, extrinsics, Hh, Ww, img_h, img_w)
    context_perm = jnp.transpose(context_features, (0, 1, 3, 4, 2))[:, :, None]
    volume = depth_dist[..., None] * context_perm
    return _voxel_pooling(geom, volume)

if __name__ == "__main__":
    import jax
    _d = setup_inputs()
    print(jax.jit(kernel)(*tuple(_d.values())))

</pallas_src>

<mosaic_0001>
#map = affine_map<(d0, d1) -> (0)>
#map1 = affine_map<(d0, d1) -> (0, 0)>
module attributes {stable_mosaic.version = 14 : i64} {
  func.func @_sc_body(%arg0: i32, %arg1: i32, %arg2: memref<473088xi32, #tpu.memory_space<hbm>>, %arg3: memref<473088xf32, #tpu.memory_space<hbm>>, %arg4: memref<4224x80xf32, #tpu.memory_space<hbm>>, %arg5: memref<32x100000xf32, #tpu.memory_space<hbm>>, %arg6: memref<100000xf32, #tpu.memory_space<vmem>>, %arg7: memref<4096xi32, #tpu.memory_space<vmem>>, %arg8: memref<4096xf32, #tpu.memory_space<vmem>>, %arg9: memref<2080xi32, #tpu.memory_space<vmem>>, %arg10: memref<2080xf32, #tpu.memory_space<vmem>>, %arg11: memref<64x80xf32, #tpu.memory_space<vmem>>, %arg12: memref<2x!tpu.dma_semaphore, #tpu.memory_space<semaphore_mem>>, %arg13: memref<2x!tpu.dma_semaphore, #tpu.memory_space<semaphore_mem>>, %arg14: memref<4x!tpu.dma_semaphore, #tpu.memory_space<semaphore_mem>>) attributes {dimension_semantics = [#tpu.dimension_semantics<core_parallel>, #tpu.dimension_semantics<subcore_parallel>], iteration_bounds = array<i64: 2, 16>, scalar_prefetch = 0 : i64, scratch_operands = 9 : i64, tpu.core_type = #tpu.core_type<sc_vector_subcore>, window_params = [{transform_indices = #map}, {transform_indices = #map}, {transform_indices = #map1}, {transform_indices = #map1}]} {
    %mul3A = arith.constant 2 : i32
    %mul3A_0 = arith.muli %arg1, %mul3A : i32
    %add3A = arith.addi %mul3A_0, %arg0 : i32
    %scan3A = arith.constant 0 : i32
    %scan3A_1 = arith.constant 0 : i32
    %scan3A_2 = arith.constant 6250 : i32
    %scan3A_3 = arith.addi %scan3A_1, %scan3A_2 : i32
    %scan3A_4 = arith.constant 1 : i32
    %scan3A_5 = scf.for %scan3A_42 = %scan3A_1 to %scan3A_3 step %scan3A_4 iter_args(%scan3A_43 = %scan3A) -> (i32)  : i32 {
      %broadcast_in_dim3A = arith.constant 0.000000e+00 : f32
      %broadcast_in_dim3A_44 = vector.broadcast %broadcast_in_dim3A : f32 to vector<16xf32>
      %mul3A_45 = arith.constant 16 : i32
      %mul3A_46 = arith.muli %scan3A_42, %mul3A_45 : i32
      %swap3A = arith.index_cast %mul3A_46 : i32 to index
      %swap3A_47 = tpu.vector_load %arg6[%swap3A] {strides = array<i32>} : memref<100000xf32, #tpu.memory_space<vmem>>, vector<16xf32>,
      tpu.vector_store %arg6[%swap3A], %broadcast_in_dim3A_44 {strides = array<i32>} : memref<100000xf32, #tpu.memory_space<vmem>>, vector<16xf32>,
      %scan3A_48 = arith.constant 0 : i32
      scf.yield %scan3A_48 : i32
    }
    %scan3A_6 = arith.constant 6250 : i32
    %scan3A_7 = arith.constant 0 : i32
    %scan3A_8 = arith.constant 0 : i32
    %scan3A_9 = arith.constant 130 : i32
    %scan3A_10 = arith.addi %scan3A_8, %scan3A_9 : i32
    %scan3A_11 = arith.constant 1 : i32
    %scan3A_12 = scf.for %scan3A_42 = %scan3A_8 to %scan3A_10 step %scan3A_11 iter_args(%scan3A_43 = %scan3A_7) -> (i32)  : i32 {
      %broadcast_in_dim3A = arith.constant 0 : i32
      %broadcast_in_dim3A_44 = vector.broadcast %broadcast_in_dim3A : i32 to vector<16xi32>
      %mul3A_45 = arith.constant 16 : i32
      %mul3A_46 = arith.muli %scan3A_42, %mul3A_45 : i32
      %swap3A = arith.index_cast %mul3A_46 : i32 to index
      %swap3A_47 = tpu.vector_load %arg9[%swap3A] {strides = array<i32>} : memref<2080xi32, #tpu.memory_space<vmem>>, vector<16xi32>,
      tpu.vector_store %arg9[%swap3A], %broadcast_in_dim3A_44 {strides = array<i32>} : memref<2080xi32, #tpu.memory_space<vmem>>, vector<16xi32>,
      %scan3A_48 = arith.constant 0 : i32
      scf.yield %scan3A_48 : i32
    }
    %scan3A_13 = arith.constant 130 : i32
    %dma_start3A = arith.constant 0 : i32
    %dma_start3A_14 = arith.constant 0 : i32
    %dma_start3A_15 = tpu.memref_slice %arg7[%dma_start3A_14] : memref<4096xi32, #tpu.memory_space<vmem>> -> memref<2048xi32, #tpu.memory_space<vmem>>
    %dma_start3A_16 = arith.constant 0 : i32
    %dma_start3A_17 = tpu.memref_slice %arg2[%dma_start3A_16] : memref<473088xi32, #tpu.memory_space<hbm>> -> memref<2048xi32, #tpu.memory_space<hbm>>
    %dma_start3A_18 = tpu.memref_slice %arg12[%dma_start3A] : memref<2x!tpu.dma_semaphore, #tpu.memory_space<semaphore_mem>> -> memref<1x!tpu.dma_semaphore, #tpu.memory_space<semaphore_mem>>
    %dma_start3A_19 = tpu.memref_squeeze %dma_start3A_18 : memref<1x!tpu.dma_semaphore, #tpu.memory_space<semaphore_mem>> -> memref<!tpu.dma_semaphore, #tpu.memory_space<semaphore_mem>>
    %dma_start3A_20 = arith.constant 0 : i32
    %dma_start3A_21 = tpu.memref_slice %arg7[%dma_start3A_20] : memref<4096xi32, #tpu.memory_space<vmem>> -> memref<2048xi32, #tpu.memory_space<vmem>>
    %dma_start3A_22 = arith.constant 0 : i32
    %dma_start3A_23 = tpu.memref_slice %arg2[%dma_start3A_22] : memref<473088xi32, #tpu.memory_space<hbm>> -> memref<2048xi32, #tpu.memory_space<hbm>>
    tpu.enqueue_dma source(%dma_start3A_23 : memref<2048xi32, #tpu.memory_space<hbm>>) target(%dma_start3A_21 : memref<2048xi32, #tpu.memory_space<vmem>>) target_semaphore(%dma_start3A_19 : memref<!tpu.dma_semaphore, #tpu.memory_space<semaphore_mem>>)
    %dma_start3A_24 = arith.constant 0 : i32
    %dma_start3A_25 = arith.constant 0 : i32
    %dma_start3A_26 = tpu.memref_slice %arg8[%dma_start3A_25] : memref<4096xf32, #tpu.memory_space<vmem>> -> memref<2048xf32, #tpu.memory_space<vmem>>
    %dma_start3A_27 = arith.constant 0 : i32
    %dma_start3A_28 = tpu.memref_slice %arg3[%dma_start3A_27] : memref<473088xf32, #tpu.memory_space<hbm>> -> memref<2048xf32, #tpu.memory_space<hbm>>
    %dma_start3A_29 = tpu.memref_slice %arg13[%dma_start3A_24] : memref<2x!tpu.dma_semaphore, #tpu.memory_space<semaphore_mem>> -> memref<1x!tpu.dma_semaphore, #tpu.memory_space<semaphore_mem>>
    %dma_start3A_30 = tpu.memref_squeeze %dma_start3A_29 : memref<1x!tpu.dma_semaphore, #tpu.memory_space<semaphore_mem>> -> memref<!tpu.dma_semaphore, #tpu.memory_space<semaphore_mem>>
    %dma_start3A_31 = arith.constant 0 : i32
    %dma_start3A_32 = tpu.memref_slice %arg8[%dma_start3A_31] : memref<4096xf32, #tpu.memory_space<vmem>> -> memref<2048xf32, #tpu.memory_space<vmem>>
    %dma_start3A_33 = arith.constant 0 : i32
    %dma_start3A_34 = tpu.memref_slice %arg3[%dma_start3A_33] : memref<473088xf32, #tpu.memory_space<hbm>> -> memref<2048xf32, #tpu.memory_space<hbm>>
    tpu.enqueue_dma source(%dma_start3A_34 : memref<2048xf32, #tpu.memory_space<hbm>>) target(%dma_start3A_32 : memref<2048xf32, #tpu.memory_space<vmem>>) target_semaphore(%dma_start3A_30 : memref<!tpu.dma_semaphore, #tpu.memory_space<semaphore_mem>>)
    %scan3A_35 = arith.constant 0 : i32
    %scan3A_36 = arith.constant 0 : i32
    %scan3A_37 = arith.constant 231 : i32
    %scan3A_38 = arith.addi %scan3A_36, %scan3A_37 : i32
    %scan3A_39 = arith.constant 1 : i32
    %scan3A_40 = scf.for %scan3A_42 = %scan3A_36 to %scan3A_38 step %scan3A_39 iter_args(%scan3A_43 = %scan3A_35) -> (i32)  : i32 {
      %and3A = arith.constant 1 : i32
      %and3A_44 = arith.andi %scan3A_42, %and3A : i32
      %add3A_45 = arith.constant 1 : i32
      %add3A_46 = arith.addi %scan3A_42, %add3A_45 : i32
      %sub3A = arith.constant 1 : i32
      %sub3A_47 = arith.subi %sub3A, %and3A_44 : i32
      %lt3A = arith.constant 231 : i32
      %lt3A_48 = arith.cmpi slt, %add3A_46, %lt3A : i32
      %convert_element_type3A = arith.extui %lt3A_48 : i1 to i32
      %cond3A = arith.constant 0 : i32
      %cond3A_49 = arith.cmpi ne, %convert_element_type3A, %cond3A : i32
      scf.if %cond3A_49 {
        %mul3A_112 = arith.constant 2048 : i32
        %mul3A_113 = arith.muli %add3A_46, %mul3A_112 : i32
        %mul3A_114 = arith.constant 2048 : i32
        %mul3A_115 = arith.muli %sub3A_47, %mul3A_114 : i32
        %mul3A_116 = arith.constant 2048 : i32
        %mul3A_117 = arith.muli %add3A_46, %mul3A_116 : i32
        %mul3A_118 = arith.constant 2048 : i32
        %mul3A_119 = arith.muli %sub3A_47, %mul3A_118 : i32
        %dma_start3A_120 = tpu.memref_slice %arg7[%mul3A_115] : memref<4096xi32, #tpu.memory_space<vmem>> -> memref<2048xi32, #tpu.memory_space<vmem>>
        %dma_start3A_121 = tpu.memref_slice %arg2[%mul3A_113] : memref<473088xi32, #tpu.memory_space<hbm>> -> memref<2048xi32, #tpu.memory_space<hbm>>
        %dma_start3A_122 = tpu.memref_slice %arg12[%sub3A_47] : memref<2x!tpu.dma_semaphore, #tpu.memory_space<semaphore_mem>> -> memref<1x!tpu.dma_semaphore, #tpu.memory_space<semaphore_mem>>
        %dma_start3A_123 = tpu.memref_squeeze %dma_start3A_122 : memref<1x!tpu.dma_semaphore, #tpu.memory_space<semaphore_mem>> -> memref<!tpu.dma_semaphore, #tpu.memory_space<semaphore_mem>>
        %dma_start3A_124 = tpu.memref_slice %arg7[%mul3A_115] : memref<4096xi32, #tpu.memory_space<vmem>> -> memref<2048xi32, #tpu.memory_space<vmem>>
        %dma_start3A_125 = tpu.memref_slice %arg2[%mul3A_113] : memref<473088xi32, #tpu.memory_space<hbm>> -> memref<2048xi32, #tpu.memory_space<hbm>>
        tpu.enqueue_dma source(%dma_start3A_125 : memref<2048xi32, #tpu.memory_space<hbm>>) target(%dma_start3A_124 : memref<2048xi32, #tpu.memory_space<vmem>>) target_semaphore(%dma_start3A_123 : memref<!tpu.dma_semaphore, #tpu.memory_space<semaphore_mem>>)
        %dma_start3A_126 = tpu.memref_slice %arg8[%mul3A_119] : memref<4096xf32, #tpu.memory_space<vmem>> -> memref<2048xf32, #tpu.memory_space<vmem>>
        %dma_start3A_127 = tpu.memref_slice %arg3[%mul3A_117] : memref<473088xf32, #tpu.memory_space<hbm>> -> memref<2048xf32, #tpu.memory_space<hbm>>
        %dma_start3A_128 = tpu.memref_slice %arg13[%sub3A_47] : memref<2x!tpu.dma_semaphore, #tpu.memory_space<semaphore_mem>> -> memref<1x!tpu.dma_semaphore, #tpu.memory_space<semaphore_mem>>
        %dma_start3A_129 = tpu.memref_squeeze %dma_start3A_128 : memref<1x!tpu.dma_semaphore, #tpu.memory_space<semaphore_mem>> -> memref<!tpu.dma_semaphore, #tpu.memory_space<semaphore_mem>>
        %dma_start3A_130 = tpu.memref_slice %arg8[%mul3A_119] : memref<4096xf32, #tpu.memory_space<vmem>> -> memref<2048xf32, #tpu.memory_space<vmem>>
        %dma_start3A_131 = tpu.memref_slice %arg3[%mul3A_117] : memref<473088xf32, #tpu.memory_space<hbm>> -> memref<2048xf32, #tpu.memory_space<hbm>>
        tpu.enqueue_dma source(%dma_start3A_131 : memref<2048xf32, #tpu.memory_space<hbm>>) target(%dma_start3A_130 : memref<2048xf32, #tpu.memory_space<vmem>>) target_semaphore(%dma_start3A_129 : memref<!tpu.dma_semaphore, #tpu.memory_space<semaphore_mem>>)
      } else {
      }
      %mul3A_50 = arith.constant 2048 : i32
      %mul3A_51 = arith.muli %scan3A_42, %mul3A_50 : i32
      %mul3A_52 = arith.constant 2048 : i32
      %mul3A_53 = arith.muli %and3A_44, %mul3A_52 : i32
      %mul3A_54 = arith.constant 2048 : i32
      %mul3A_55 = arith.muli %scan3A_42, %mul3A_54 : i32
      %mul3A_56 = arith.constant 2048 : i32
      %mul3A_57 = arith.muli %and3A_44, %mul3A_56 : i32
      %dma_wait3A = tpu.memref_slice %arg7[%mul3A_53] : memref<4096xi32, #tpu.memory_space<vmem>> -> memref<2048xi32, #tpu.memory_space<vmem>>
      %dma_wait3A_58 = tpu.memref_slice %arg2[%mul3A_51] : memref<473088xi32, #tpu.memory_space<hbm>> -> memref<2048xi32, #tpu.memory_space<hbm>>
      %dma_wait3A_59 = tpu.memref_slice %arg12[%and3A_44] : memref<2x!tpu.dma_semaphore, #tpu.memory_space<semaphore_mem>> -> memref<1x!tpu.dma_semaphore, #tpu.memory_space<semaphore_mem>>
      %dma_wait3A_60 = tpu.memref_squeeze %dma_wait3A_59 : memref<1x!tpu.dma_semaphore, #tpu.memory_space<semaphore_mem>> -> memref<!tpu.dma_semaphore, #tpu.memory_space<semaphore_mem>>
      %dma_wait3A_61 = tpu.memref_slice %arg7[%mul3A_53] : memref<4096xi32, #tpu.memory_space<vmem>> -> memref<2048xi32, #tpu.memory_space<vmem>>
      %dma_wait3A_62 = tpu.memref_slice %arg2[%mul3A_51] : memref<473088xi32, #tpu.memory_space<hbm>> -> memref<2048xi32, #tpu.memory_space<hbm>>
      tpu.wait_dma2 semaphore(%dma_wait3A_60 : memref<!tpu.dma_semaphore, #tpu.memory_space<semaphore_mem>>) src(%dma_wait3A_62 : memref<2048xi32, #tpu.memory_space<hbm>>) dst(%dma_wait3A_61 : memref<2048xi32, #tpu.memory_space<vmem>>)
      %dma_wait3A_63 = tpu.memref_slice %arg8[%mul3A_57] : memref<4096xf32, #tpu.memory_space<vmem>> -> memref<2048xf32, #tpu.memory_space<vmem>>
      %dma_wait3A_64 = tpu.memref_slice %arg3[%mul3A_55] : memref<473088xf32, #tpu.memory_space<hbm>> -> memref<2048xf32, #tpu.memory_space<hbm>>
      %dma_wait3A_65 = tpu.memref_slice %arg13[%and3A_44] : memref<2x!tpu.dma_semaphore, #tpu.memory_space<semaphore_mem>> -> memref<1x!tpu.dma_semaphore, #tpu.memory_space<semaphore_mem>>
      %dma_wait3A_66 = tpu.memref_squeeze %dma_wait3A_65 : memref<1x!tpu.dma_semaphore, #tpu.memory_space<semaphore_mem>> -> memref<!tpu.dma_semaphore, #tpu.memory_space<semaphore_mem>>
      %dma_wait3A_67 = tpu.memref_slice %arg8[%mul3A_57] : memref<4096xf32, #tpu.memory_space<vmem>> -> memref<2048xf32, #tpu.memory_space<vmem>>
      %dma_wait3A_68 = tpu.memref_slice %arg3[%mul3A_55] : memref<473088xf32, #tpu.memory_space<hbm>> -> memref<2048xf32, #tpu.memory_space<hbm>>
      tpu.wait_dma2 semaphore(%dma_wait3A_66 : memref<!tpu.dma_semaphore, #tpu.memory_space<semaphore_mem>>) src(%dma_wait3A_68 : memref<2048xf32, #tpu.memory_space<hbm>>) dst(%dma_wait3A_67 : memref<2048xf32, #tpu.memory_space<vmem>>)
      %mul3A_69 = arith.constant 2048 : i32
      %mul3A_70 = arith.muli %and3A_44, %mul3A_69 : i32
      %scan3A_71 = arith.constant 0 : i32
      %scan3A_72 = arith.constant 0 : i32
      %scan3A_73 = arith.constant 16 : i32
      %scan3A_74 = arith.addi %scan3A_72, %scan3A_73 : i32
      %scan3A_75 = arith.constant 1 : i32
      %scan3A_76 = scf.for %scan3A_112 = %scan3A_72 to %scan3A_74 step %scan3A_75 iter_args(%scan3A_113 = %scan3A_71) -> (i32)  : i32 {
        %mul3A_114 = arith.constant 8 : i32
        %mul3A_115 = arith.muli %scan3A_112, %mul3A_114 : i32
        %add3A_116 = arith.constant 0 : i32
        %add3A_117 = arith.addi %mul3A_115, %add3A_116 : i32
        %mul3A_118 = arith.constant 16 : i32
        %mul3A_119 = arith.muli %add3A_117, %mul3A_118 : i32
        %add3A_120 = arith.addi %mul3A_70, %mul3A_119 : i32
        %get3A = arith.index_cast %add3A_120 : i32 to index
        %get3A_121 = tpu.vector_load %arg7[%get3A] {strides = array<i32>} : memref<4096xi32, #tpu.memory_space<vmem>>, vector<16xi32>,
        %shift_right_arithmetic3A_122 = arith.constant 24 : i32
        %shift_right_arithmetic3A_123 = vector.broadcast %shift_right_arithmetic3A_122 : i32 to vector<16xi32>
        %shift_right_arithmetic3A_124 = arith.shrsi %get3A_121, %shift_right_arithmetic3A_123 : vector<16xi32>
        %eq3A = vector.broadcast %add3A : i32 to vector<16xi32>
        %eq3A_125 = arith.cmpi eq, %shift_right_arithmetic3A_124, %eq3A : vector<16xi32>
        %swap3A = arith.index_cast %scan3A_113 : i32 to index
        %swap3A_126 = tpu.vector_load %arg9[%swap3A] masked %eq3A_125 {strides = array<i32>} : memref<2080xi32, #tpu.memory_space<vmem>>, vector<16xi32>, vector<16xi1>
        tpu.vector_store %arg9[%swap3A], %get3A_121 masked %eq3A_125 {strides = array<i32>} : memref<2080xi32, #tpu.memory_space<vmem>>, vector<16xi32>, vector<16xi1>
        %get3A_127 = arith.index_cast %add3A_120 : i32 to index
        %get3A_128 = tpu.vector_load %arg8[%get3A_127] {strides = array<i32>} : memref<4096xf32, #tpu.memory_space<vmem>>, vector<16xf32>,
        %swap3A_129 = arith.index_cast %scan3A_113 : i32 to index
        %swap3A_130 = tpu.vector_load %arg10[%swap3A_129] masked %eq3A_125 {strides = array<i32>} : memref<2080xf32, #tpu.memory_space<vmem>>, vector<16xf32>, vector<16xi1>
        tpu.vector_store %arg10[%swap3A_129], %get3A_128 masked %eq3A_125 {strides = array<i32>} : memref<2080xf32, #tpu.memory_space<vmem>>, vector<16xf32>, vector<16xi1>
        %all_reduce_population_count3A = tpu.all_reduce %eq3A_125 {dim = 0 : i64, kind = #tpu.reduction_kind<sum>} : vector<16xi1> -> vector<16xi32>
        %slice3A = vector.extract_strided_slice %all_reduce_population_count3A {offsets = [0], sizes = [1], strides = [1]} : vector<16xi32> to vector<1xi32>
        %squeeze3A = vector.extract %slice3A[0] : i32 from vector<1xi32>
        %add3A_131 = arith.addi %scan3A_113, %squeeze3A : i32
        %mul3A_132 = arith.constant 8 : i32
        %mul3A_133 = arith.muli %scan3A_112, %mul3A_132 : i32
        %add3A_134 = arith.constant 1 : i32
        %add3A_135 = arith.addi %mul3A_133, %add3A_134 : i32
        %mul3A_136 = arith.constant 16 : i32
        %mul3A_137 = arith.muli %add3A_135, %mul3A_136 : i32
        %add3A_138 = arith.addi %mul3A_70, %mul3A_137 : i32
        %get3A_139 = arith.index_cast %add3A_138 : i32 to index
        %get3A_140 = tpu.vector_load %arg7[%get3A_139] {strides = array<i32>} : memref<4096xi32, #tpu.memory_space<vmem>>, vector<16xi32>,
        %shift_right_arithmetic3A_141 = arith.constant 24 : i32
        %shift_right_arithmetic3A_142 = vector.broadcast %shift_right_arithmetic3A_141 : i32 to vector<16xi32>
        %shift_right_arithmetic3A_143 = arith.shrsi %get3A_140, %shift_right_arithmetic3A_142 : vector<16xi32>
        %eq3A_144 = vector.broadcast %add3A : i32 to vector<16xi32>
        %eq3A_145 = arith.cmpi eq, %shift_right_arithmetic3A_143, %eq3A_144 : vector<16xi32>
        %swap3A_146 = arith.index_cast %add3A_131 : i32 to index
        %swap3A_147 = tpu.vector_load %arg9[%swap3A_146] masked %eq3A_145 {strides = array<i32>} : memref<2080xi32, #tpu.memory_space<vmem>>, vector<16xi32>, vector<16xi1>
        tpu.vector_store %arg9[%swap3A_146], %get3A_140 masked %eq3A_145 {strides = array<i32>} : memref<2080xi32, #tpu.memory_space<vmem>>, vector<16xi32>, vector<16xi1>
        %get3A_148 = arith.index_cast %add3A_138 : i32 to index
        %get3A_149 = tpu.vector_load %arg8[%get3A_148] {strides = array<i32>} : memref<4096xf32, #tpu.memory_space<vmem>>, vector<16xf32>,
        %swap3A_150 = arith.index_cast %add3A_131 : i32 to index
        %swap3A_151 = tpu.vector_load %arg10[%swap3A_150] masked %eq3A_145 {strides = array<i32>} : memref<2080xf32, #tpu.memory_space<vmem>>, vector<16xf32>, vector<16xi1>
        tpu.vector_store %arg10[%swap3A_150], %get3A_149 masked %eq3A_145 {strides = array<i32>} : memref<2080xf32, #tpu.memory_space<vmem>>, vector<16xf32>, vector<16xi1>
        %all_reduce_population_count3A_152 = tpu.all_reduce %eq3A_145 {dim = 0 : i64, kind = #tpu.reduction_kind<sum>} : vector<16xi1> -> vector<16xi32>
        %slice3A_153 = vector.extract_strided_slice %all_reduce_population_count3A_152 {offsets = [0], sizes = [1], strides = [1]} : vector<16xi32> to vector<1xi32>
        %squeeze3A_154 = vector.extract %slice3A_153[0] : i32 from vector<1xi32>
        %add3A_155 = arith.addi %add3A_131, %squeeze3A_154 : i32
        %mul3A_156 = arith.constant 8 : i32
        %mul3A_157 = arith.muli %scan3A_112, %mul3A_156 : i32
        %add3A_158 = arith.constant 2 : i32
        %add3A_159 = arith.addi %mul3A_157, %add3A_158 : i32
        %mul3A_160 = arith.constant 16 : i32
        %mul3A_161 = arith.muli %add3A_159, %mul3A_160 : i32
        %add3A_162 = arith.addi %mul3A_70, %mul3A_161 : i32
        %get3A_163 = arith.index_cast %add3A_162 : i32 to index
        %get3A_164 = tpu.vector_load %arg7[%get3A_163] {strides = array<i32>} : memref<4096xi32, #tpu.memory_space<vmem>>, vector<16xi32>,
        %shift_right_arithmetic3A_165 = arith.constant 24 : i32
        %shift_right_arithmetic3A_166 = vector.broadcast %shift_right_arithmetic3A_165 : i32 to vector<16xi32>
        %shift_right_arithmetic3A_167 = arith.shrsi %get3A_164, %shift_right_arithmetic3A_166 : vector<16xi32>
        %eq3A_168 = vector.broadcast %add3A : i32 to vector<16xi32>
        %eq3A_169 = arith.cmpi eq, %shift_right_arithmetic3A_167, %eq3A_168 : vector<16xi32>
        %swap3A_170 = arith.index_cast %add3A_155 : i32 to index
        %swap3A_171 = tpu.vector_load %arg9[%swap3A_170] masked %eq3A_169 {strides = array<i32>} : memref<2080xi32, #tpu.memory_space<vmem>>, vector<16xi32>, vector<16xi1>
        tpu.vector_store %arg9[%swap3A_170], %get3A_164 masked %eq3A_169 {strides = array<i32>} : memref<2080xi32, #tpu.memory_space<vmem>>, vector<16xi32>, vector<16xi1>
        %get3A_172 = arith.index_cast %add3A_162 : i32 to index
        %get3A_173 = tpu.vector_load %arg8[%get3A_172] {strides = array<i32>} : memref<4096xf32, #tpu.memory_space<vmem>>, vector<16xf32>,
        %swap3A_174 = arith.index_cast %add3A_155 : i32 to index
        %swap3A_175 = tpu.vector_load %arg10[%swap3A_174] masked %eq3A_169 {strides = array<i32>} : memref<2080xf32, #tpu.memory_space<vmem>>, vector<16xf32>, vector<16xi1>
        tpu.vector_store %arg10[%swap3A_174], %get3A_173 masked %eq3A_169 {strides = array<i32>} : memref<2080xf32, #tpu.memory_space<vmem>>, vector<16xf32>, vector<16xi1>
        %all_reduce_population_count3A_176 = tpu.all_reduce %eq3A_169 {dim = 0 : i64, kind = #tpu.reduction_kind<sum>} : vector<16xi1> -> vector<16xi32>
        %slice3A_177 = vector.extract_strided_slice %all_reduce_population_count3A_176 {offsets = [0], sizes = [1], strides = [1]} : vector<16xi32> to vector<1xi32>
        %squeeze3A_178 = vector.extract %slice3A_177[0] : i32 from vector<1xi32>
        %add3A_179 = arith.addi %add3A_155, %squeeze3A_178 : i32
        %mul3A_180 = arith.constant 8 : i32
        %mul3A_181 = arith.muli %scan3A_112, %mul3A_180 : i32
        %add3A_182 = arith.constant 3 : i32
        %add3A_183 = arith.addi %mul3A_181, %add3A_182 : i32
        %mul3A_184 = arith.constant 16 : i32
        %mul3A_185 = arith.muli %add3A_183, %mul3A_184 : i32
        %add3A_186 = arith.addi %mul3A_70, %mul3A_185 : i32
        %get3A_187 = arith.index_cast %add3A_186 : i32 to index
        %get3A_188 = tpu.vector_load %arg7[%get3A_187] {strides = array<i32>} : memref<4096xi32, #tpu.memory_space<vmem>>, vector<16xi32>,
        %shift_right_arithmetic3A_189 = arith.constant 24 : i32
        %shift_right_arithmetic3A_190 = vector.broadcast %shift_right_arithmetic3A_189 : i32 to vector<16xi32>
        %shift_right_arithmetic3A_191 = arith.shrsi %get3A_188, %shift_right_arithmetic3A_190 : vector<16xi32>
        %eq3A_192 = vector.broadcast %add3A : i32 to vector<16xi32>
        %eq3A_193 = arith.cmpi eq, %shift_right_arithmetic3A_191, %eq3A_192 : vector<16xi32>
        %swap3A_194 = arith.index_cast %add3A_179 : i32 to index
        %swap3A_195 = tpu.vector_load %arg9[%swap3A_194] masked %eq3A_193 {strides = array<i32>} : memref<2080xi32, #tpu.memory_space<vmem>>, vector<16xi32>, vector<16xi1>
        tpu.vector_store %arg9[%swap3A_194], %get3A_188 masked %eq3A_193 {strides = array<i32>} : memref<2080xi32, #tpu.memory_space<vmem>>, vector<16xi32>, vector<16xi1>
        %get3A_196 = arith.index_cast %add3A_186 : i32 to index
        %get3A_197 = tpu.vector_load %arg8[%get3A_196] {strides = array<i32>} : memref<4096xf32, #tpu.memory_space<vmem>>, vector<16xf32>,
        %swap3A_198 = arith.index_cast %add3A_179 : i32 to index
        %swap3A_199 = tpu.vector_load %arg10[%swap3A_198] masked %eq3A_193 {strides = array<i32>} : memref<2080xf32, #tpu.memory_space<vmem>>, vector<16xf32>, vector<16xi1>
        tpu.vector_store %arg10[%swap3A_198], %get3A_197 masked %eq3A_193 {strides = array<i32>} : memref<2080xf32, #tpu.memory_space<vmem>>, vector<16xf32>, vector<16xi1>
        %all_reduce_population_count3A_200 = tpu.all_reduce %eq3A_193 {dim = 0 : i64, kind = #tpu.reduction_kind<sum>} : vector<16xi1> -> vector<16xi32>
        %slice3A_201 = vector.extract_strided_slice %all_reduce_population_count3A_200 {offsets = [0], sizes = [1], strides = [1]} : vector<16xi32> to vector<1xi32>
        %squeeze3A_202 = vector.extract %slice3A_201[0] : i32 from vector<1xi32>
        %add3A_203 = arith.addi %add3A_179, %squeeze3A_202 : i32
        %mul3A_204 = arith.constant 8 : i32
        %mul3A_205 = arith.muli %scan3A_112, %mul3A_204 : i32
        %add3A_206 = arith.constant 4 : i32
        %add3A_207 = arith.addi %mul3A_205, %add3A_206 : i32
        %mul3A_208 = arith.constant 16 : i32
        %mul3A_209 = arith.muli %add3A_207, %mul3A_208 : i32
        %add3A_210 = arith.addi %mul3A_70, %mul3A_209 : i32
        %get3A_211 = arith.index_cast %add3A_210 : i32 to index
        %get3A_212 = tpu.vector_load %arg7[%get3A_211] {strides = array<i32>} : memref<4096xi32, #tpu.memory_space<vmem>>, vector<16xi32>,
        %shift_right_arithmetic3A_213 = arith.constant 24 : i32
        %shift_right_arithmetic3A_214 = vector.broadcast %shift_right_arithmetic3A_213 : i32 to vector<16xi32>
        %shift_right_arithmetic3A_215 = arith.shrsi %get3A_212, %shift_right_arithmetic3A_214 : vector<16xi32>
        %eq3A_216 = vector.broadcast %add3A : i32 to vector<16xi32>
        %eq3A_217 = arith.cmpi eq, %shift_right_arithmetic3A_215, %eq3A_216 : vector<16xi32>
        %swap3A_218 = arith.index_cast %add3A_203 : i32 to index
        %swap3A_219 = tpu.vector_load %arg9[%swap3A_218] masked %eq3A_217 {strides = array<i32>} : memref<2080xi32, #tpu.memory_space<vmem>>, vector<16xi32>, vector<16xi1>
        tpu.vector_store %arg9[%swap3A_218], %get3A_212 masked %eq3A_217 {strides = array<i32>} : memref<2080xi32, #tpu.memory_space<vmem>>, vector<16xi32>, vector<16xi1>
        %get3A_220 = arith.index_cast %add3A_210 : i32 to index
        %get3A_221 = tpu.vector_load %arg8[%get3A_220] {strides = array<i32>} : memref<4096xf32, #tpu.memory_space<vmem>>, vector<16xf32>,
        %swap3A_222 = arith.index_cast %add3A_203 : i32 to index
        %swap3A_223 = tpu.vector_load %arg10[%swap3A_222] masked %eq3A_217 {strides = array<i32>} : memref<2080xf32, #tpu.memory_space<vmem>>, vector<16xf32>, vector<16xi1>
        tpu.vector_store %arg10[%swap3A_222], %get3A_221 masked %eq3A_217 {strides = array<i32>} : memref<2080xf32, #tpu.memory_space<vmem>>, vector<16xf32>, vector<16xi1>
        %all_reduce_population_count3A_224 = tpu.all_reduce %eq3A_217 {dim = 0 : i64, kind = #tpu.reduction_kind<sum>} : vector<16xi1> -> vector<16xi32>
        %slice3A_225 = vector.extract_strided_slice %all_reduce_population_count3A_224 {offsets = [0], sizes = [1], strides = [1]} : vector<16xi32> to vector<1xi32>
        %squeeze3A_226 = vector.extract %slice3A_225[0] : i32 from vector<1xi32>
        %add3A_227 = arith.addi %add3A_203, %squeeze3A_226 : i32
        %mul3A_228 = arith.constant 8 : i32
        %mul3A_229 = arith.muli %scan3A_112, %mul3A_228 : i32
        %add3A_230 = arith.constant 5 : i32
        %add3A_231 = arith.addi %mul3A_229, %add3A_230 : i32
        %mul3A_232 = arith.constant 16 : i32
        %mul3A_233 = arith.muli %add3A_231, %mul3A_232 : i32
        %add3A_234 = arith.addi %mul3A_70, %mul3A_233 : i32
        %get3A_235 = arith.index_cast %add3A_234 : i32 to index
        %get3A_236 = tpu.vector_load %arg7[%get3A_235] {strides = array<i32>} : memref<4096xi32, #tpu.memory_space<vmem>>, vector<16xi32>,
        %shift_right_arithmetic3A_237 = arith.constant 24 : i32
        %shift_right_arithmetic3A_238 = vector.broadcast %shift_right_arithmetic3A_237 : i32 to vector<16xi32>
        %shift_right_arithmetic3A_239 = arith.shrsi %get3A_236, %shift_right_arithmetic3A_238 : vector<16xi32>
        %eq3A_240 = vector.broadcast %add3A : i32 to vector<16xi32>
        %eq3A_241 = arith.cmpi eq, %shift_right_arithmetic3A_239, %eq3A_240 : vector<16xi32>
        %swap3A_242 = arith.index_cast %add3A_227 : i32 to index
        %swap3A_243 = tpu.vector_load %arg9[%swap3A_242] masked %eq3A_241 {strides = array<i32>} : memref<2080xi32, #tpu.memory_space<vmem>>, vector<16xi32>, vector<16xi1>
        tpu.vector_store %arg9[%swap3A_242], %get3A_236 masked %eq3A_241 {strides = array<i32>} : memref<2080xi32, #tpu.memory_space<vmem>>, vector<16xi32>, vector<16xi1>
        %get3A_244 = arith.index_cast %add3A_234 : i32 to index
        %get3A_245 = tpu.vector_load %arg8[%get3A_244] {strides = array<i32>} : memref<4096xf32, #tpu.memory_space<vmem>>, vector<16xf32>,
        %swap3A_246 = arith.index_cast %add3A_227 : i32 to index
        %swap3A_247 = tpu.vector_load %arg10[%swap3A_246] masked %eq3A_241 {strides = array<i32>} : memref<2080xf32, #tpu.memory_space<vmem>>, vector<16xf32>, vector<16xi1>
        tpu.vector_store %arg10[%swap3A_246], %get3A_245 masked %eq3A_241 {strides = array<i32>} : memref<2080xf32, #tpu.memory_space<vmem>>, vector<16xf32>, vector<16xi1>
        %all_reduce_population_count3A_248 = tpu.all_reduce %eq3A_241 {dim = 0 : i64, kind = #tpu.reduction_kind<sum>} : vector<16xi1> -> vector<16xi32>
        %slice3A_249 = vector.extract_strided_slice %all_reduce_population_count3A_248 {offsets = [0], sizes = [1], strides = [1]} : vector<16xi32> to vector<1xi32>
        %squeeze3A_250 = vector.extract %slice3A_249[0] : i32 from vector<1xi32>
        %add3A_251 = arith.addi %add3A_227, %squeeze3A_250 : i32
        %mul3A_252 = arith.constant 8 : i32
        %mul3A_253 = arith.muli %scan3A_112, %mul3A_252 : i32
        %add3A_254 = arith.constant 6 : i32
        %add3A_255 = arith.addi %mul3A_253, %add3A_254 : i32
        %mul3A_256 = arith.constant 16 : i32
        %mul3A_257 = arith.muli %add3A_255, %mul3A_256 : i32
        %add3A_258 = arith.addi %mul3A_70, %mul3A_257 : i32
        %get3A_259 = arith.index_cast %add3A_258 : i32 to index
        %get3A_260 = tpu.vector_load %arg7[%get3A_259] {strides = array<i32>} : memref<4096xi32, #tpu.memory_space<vmem>>, vector<16xi32>,
        %shift_right_arithmetic3A_261 = arith.constant 24 : i32
        %shift_right_arithmetic3A_262 = vector.broadcast %shift_right_arithmetic3A_261 : i32 to vector<16xi32>
        %shift_right_arithmetic3A_263 = arith.shrsi %get3A_260, %shift_right_arithmetic3A_262 : vector<16xi32>
        %eq3A_264 = vector.broadcast %add3A : i32 to vector<16xi32>
        %eq3A_265 = arith.cmpi eq, %shift_right_arithmetic3A_263, %eq3A_264 : vector<16xi32>
        %swap3A_266 = arith.index_cast %add3A_251 : i32 to index
        %swap3A_267 = tpu.vector_load %arg9[%swap3A_266] masked %eq3A_265 {strides = array<i32>} : memref<2080xi32, #tpu.memory_space<vmem>>, vector<16xi32>, vector<16xi1>
        tpu.vector_store %arg9[%swap3A_266], %get3A_260 masked %eq3A_265 {strides = array<i32>} : memref<2080xi32, #tpu.memory_space<vmem>>, vector<16xi32>, vector<16xi1>
        %get3A_268 = arith.index_cast %add3A_258 : i32 to index
        %get3A_269 = tpu.vector_load %arg8[%get3A_268] {strides = array<i32>} : memref<4096xf32, #tpu.memory_space<vmem>>, vector<16xf32>,
        %swap3A_270 = arith.index_cast %add3A_251 : i32 to index
        %swap3A_271 = tpu.vector_load %arg10[%swap3A_270] masked %eq3A_265 {strides = array<i32>} : memref<2080xf32, #tpu.memory_space<vmem>>, vector<16xf32>, vector<16xi1>
        tpu.vector_store %arg10[%swap3A_270], %get3A_269 masked %eq3A_265 {strides = array<i32>} : memref<2080xf32, #tpu.memory_space<vmem>>, vector<16xf32>, vector<16xi1>
        %all_reduce_population_count3A_272 = tpu.all_reduce %eq3A_265 {dim = 0 : i64, kind = #tpu.reduction_kind<sum>} : vector<16xi1> -> vector<16xi32>
        %slice3A_273 = vector.extract_strided_slice %all_reduce_population_count3A_272 {offsets = [0], sizes = [1], strides = [1]} : vector<16xi32> to vector<1xi32>
        %squeeze3A_274 = vector.extract %slice3A_273[0] : i32 from vector<1xi32>
        %add3A_275 = arith.addi %add3A_251, %squeeze3A_274 : i32
        %mul3A_276 = arith.constant 8 : i32
        %mul3A_277 = arith.muli %scan3A_112, %mul3A_276 : i32
        %add3A_278 = arith.constant 7 : i32
        %add3A_279 = arith.addi %mul3A_277, %add3A_278 : i32
        %mul3A_280 = arith.constant 16 : i32
        %mul3A_281 = arith.muli %add3A_279, %mul3A_280 : i32
        %add3A_282 = arith.addi %mul3A_70, %mul3A_281 : i32
        %get3A_283 = arith.index_cast %add3A_282 : i32 to index
        %get3A_284 = tpu.vector_load %arg7[%get3A_283] {strides = array<i32>} : memref<4096xi32, #tpu.memory_space<vmem>>, vector<16xi32>,
        %shift_right_arithmetic3A_285 = arith.constant 24 : i32
        %shift_right_arithmetic3A_286 = vector.broadcast %shift_right_arithmetic3A_285 : i32 to vector<16xi32>
        %shift_right_arithmetic3A_287 = arith.shrsi %get3A_284, %shift_right_arithmetic3A_286 : vector<16xi32>
        %eq3A_288 = vector.broadcast %add3A : i32 to vector<16xi32>
        %eq3A_289 = arith.cmpi eq, %shift_right_arithmetic3A_287, %eq3A_288 : vector<16xi32>
        %swap3A_290 = arith.index_cast %add3A_275 : i32 to index
        %swap3A_291 = tpu.vector_load %arg9[%swap3A_290] masked %eq3A_289 {strides = array<i32>} : memref<2080xi32, #tpu.memory_space<vmem>>, vector<16xi32>, vector<16xi1>
        tpu.vector_store %arg9[%swap3A_290], %get3A_284 masked %eq3A_289 {strides = array<i32>} : memref<2080xi32, #tpu.memory_space<vmem>>, vector<16xi32>, vector<16xi1>
        %get3A_292 = arith.index_cast %add3A_282 : i32 to index
        %get3A_293 = tpu.vector_load %arg8[%get3A_292] {strides = array<i32>} : memref<4096xf32, #tpu.memory_space<vmem>>, vector<16xf32>,
        %swap3A_294 = arith.index_cast %add3A_275 : i32 to index
        %swap3A_295 = tpu.vector_load %arg10[%swap3A_294] masked %eq3A_289 {strides = array<i32>} : memref<2080xf32, #tpu.memory_space<vmem>>, vector<16xf32>, vector<16xi1>
        tpu.vector_store %arg10[%swap3A_294], %get3A_293 masked %eq3A_289 {strides = array<i32>} : memref<2080xf32, #tpu.memory_space<vmem>>, vector<16xf32>, vector<16xi1>
        %all_reduce_population_count3A_296 = tpu.all_reduce %eq3A_289 {dim = 0 : i64, kind = #tpu.reduction_kind<sum>} : vector<16xi1> -> vector<16xi32>
        %slice3A_297 = vector.extract_strided_slice %all_reduce_population_count3A_296 {offsets = [0], sizes = [1], strides = [1]} : vector<16xi32> to vector<1xi32>
        %squeeze3A_298 = vector.extract %slice3A_297[0] : i32 from vector<1xi32>
        %add3A_299 = arith.addi %add3A_275, %squeeze3A_298 : i32
        scf.yield %add3A_299 : i32
      }
      %scan3A_77 = arith.constant 16 : i32
      %add3A_78 = arith.constant 15 : i32
      %add3A_79 = arith.addi %scan3A_76, %add3A_78 : i32
      %shift_right_arithmetic3A = arith.constant 4 : i32
      %shift_right_arithmetic3A_80 = arith.shrsi %add3A_79, %shift_right_arithmetic3A : i32
      %gt3A = arith.constant 0 : i32
      %gt3A_81 = arith.cmpi sgt, %shift_right_arithmetic3A_80, %gt3A : i32
      %convert_element_type3A_82 = arith.extui %gt3A_81 : i1 to i32
      %cond3A_83 = arith.constant 0 : i32
      %cond3A_84 = arith.cmpi ne, %convert_element_type3A_82, %cond3A_83 : i32
      scf.if %cond3A_84 {
        %get3A = arith.constant 0 : index
        %get3A_112 = tpu.vector_load %arg9[%get3A] {strides = array<i32>} : memref<2080xi32, #tpu.memory_space<vmem>>, vector<16xi32>,
        %and3A_113 = arith.constant 8191 : i32
        %and3A_114 = vector.broadcast %and3A_113 : i32 to vector<16xi32>
        %and3A_115 = arith.andi %get3A_112, %and3A_114 : vector<16xi32>
        %dma_start3A_116 = arith.constant 0 : i32
        %dma_start3A_117 = arith.constant 0 : i32
        %dma_start3A_118 = arith.constant 0 : i32
        %dma_start3A_119 = tpu.memref_slice %arg11[%dma_start3A_117, %dma_start3A_118] : memref<64x80xf32, #tpu.memory_space<vmem>> -> memref<16x80xf32, #tpu.memory_space<vmem>>
        %dma_start3A_120 = arith.constant 0 : i32
        %dma_start3A_121 = arith.constant 0 : i32
        %dma_start3A_122 = tpu.memref_slice %arg4[%dma_start3A_120, %dma_start3A_121] : memref<4224x80xf32, #tpu.memory_space<hbm>> -> memref<4224x80xf32, #tpu.memory_space<hbm>>
        %dma_start3A_123 = tpu.memref_slice %arg14[%dma_start3A_116] : memref<4x!tpu.dma_semaphore, #tpu.memory_space<semaphore_mem>> -> memref<1x!tpu.dma_semaphore, #tpu.memory_space<semaphore_mem>>
        %dma_start3A_124 = tpu.memref_squeeze %dma_start3A_123 : memref<1x!tpu.dma_semaphore, #tpu.memory_space<semaphore_mem>> -> memref<!tpu.dma_semaphore, #tpu.memory_space<semaphore_mem>>
        tpu.enqueue_indirect_dma source(%dma_start3A_122 : memref<4224x80xf32, #tpu.memory_space<hbm>>) target(%dma_start3A_119 : memref<16x80xf32, #tpu.memory_space<vmem>>) offsets(%and3A_115 : vector<16xi32>) semaphore(%dma_start3A_124 : memref<!tpu.dma_semaphore, #tpu.memory_space<semaphore_mem>>)
      } else {
      }
      %gt3A_85 = arith.constant 1 : i32
      %gt3A_86 = arith.cmpi sgt, %shift_right_arithmetic3A_80, %gt3A_85 : i32
      %convert_element_type3A_87 = arith.extui %gt3A_86 : i1 to i32
      %cond3A_88 = arith.constant 0 : i32
      %cond3A_89 = arith.cmpi ne, %convert_element_type3A_87, %cond3A_88 : i32
      scf.if %cond3A_89 {
        %get3A = arith.constant 16 : index
        %get3A_112 = tpu.vector_load %arg9[%get3A] {strides = array<i32>} : memref<2080xi32, #tpu.memory_space<vmem>>, vector<16xi32>,
        %and3A_113 = arith.constant 8191 : i32
        %and3A_114 = vector.broadcast %and3A_113 : i32 to vector<16xi32>
        %and3A_115 = arith.andi %get3A_112, %and3A_114 : vector<16xi32>
        %dma_start3A_116 = arith.constant 1 : i32
        %dma_start3A_117 = arith.constant 16 : i32
        %dma_start3A_118 = arith.constant 0 : i32
        %dma_start3A_119 = tpu.memref_slice %arg11[%dma_start3A_117, %dma_start3A_118] : memref<64x80xf32, #tpu.memory_space<vmem>> -> memref<16x80xf32, #tpu.memory_space<vmem>>
        %dma_start3A_120 = arith.constant 0 : i32
        %dma_start3A_121 = arith.constant 0 : i32
        %dma_start3A_122 = tpu.memref_slice %arg4[%dma_start3A_120, %dma_start3A_121] : memref<4224x80xf32, #tpu.memory_space<hbm>> -> memref<4224x80xf32, #tpu.memory_space<hbm>>
        %dma_start3A_123 = tpu.memref_slice %arg14[%dma_start3A_116] : memref<4x!tpu.dma_semaphore, #tpu.memory_space<semaphore_mem>> -> memref<1x!tpu.dma_semaphore, #tpu.memory_space<semaphore_mem>>
        %dma_start3A_124 = tpu.memref_squeeze %dma_start3A_123 : memref<1x!tpu.dma_semaphore, #tpu.memory_space<semaphore_mem>> -> memref<!tpu.dma_semaphore, #tpu.memory_space<semaphore_mem>>
        tpu.enqueue_indirect_dma source(%dma_start3A_122 : memref<4224x80xf32, #tpu.memory_space<hbm>>) target(%dma_start3A_119 : memref<16x80xf32, #tpu.memory_space<vmem>>) offsets(%and3A_115 : vector<16xi32>) semaphore(%dma_start3A_124 : memref<!tpu.dma_semaphore, #tpu.memory_space<semaphore_mem>>)
      } else {
      }
      %gt3A_90 = arith.constant 2 : i32
      %gt3A_91 = arith.cmpi sgt, %shift_right_arithmetic3A_80, %gt3A_90 : i32
      %convert_element_type3A_92 = arith.extui %gt3A_91 : i1 to i32
      %cond3A_93 = arith.constant 0 : i32
      %cond3A_94 = arith.cmpi ne, %convert_element_type3A_92, %cond3A_93 : i32
      scf.if %cond3A_94 {
        %get3A = arith.constant 32 : index
        %get3A_112 = tpu.vector_load %arg9[%get3A] {strides = array<i32>} : memref<2080xi32, #tpu.memory_space<vmem>>, vector<16xi32>,
        %and3A_113 = arith.constant 8191 : i32
        %and3A_114 = vector.broadcast %and3A_113 : i32 to vector<16xi32>
        %and3A_115 = arith.andi %get3A_112, %and3A_114 : vector<16xi32>
        %dma_start3A_116 = arith.constant 2 : i32
        %dma_start3A_117 = arith.constant 32 : i32
        %dma_start3A_118 = arith.constant 0 : i32
        %dma_start3A_119 = tpu.memref_slice %arg11[%dma_start3A_117, %dma_start3A_118] : memref<64x80xf32, #tpu.memory_space<vmem>> -> memref<16x80xf32, #tpu.memory_space<vmem>>
        %dma_start3A_120 = arith.constant 0 : i32
        %dma_start3A_121 = arith.constant 0 : i32
        %dma_start3A_122 = tpu.memref_slice %arg4[%dma_start3A_120, %dma_start3A_121] : memref<4224x80xf32, #tpu.memory_space<hbm>> -> memref<4224x80xf32, #tpu.memory_space<hbm>>
        %dma_start3A_123 = tpu.memref_slice %arg14[%dma_start3A_116] : memref<4x!tpu.dma_semaphore, #tpu.memory_space<semaphore_mem>> -> memref<1x!tpu.dma_semaphore, #tpu.memory_space<semaphore_mem>>
        %dma_start3A_124 = tpu.memref_squeeze %dma_start3A_123 : memref<1x!tpu.dma_semaphore, #tpu.memory_space<semaphore_mem>> -> memref<!tpu.dma_semaphore, #tpu.memory_space<semaphore_mem>>
        tpu.enqueue_indirect_dma source(%dma_start3A_122 : memref<4224x80xf32, #tpu.memory_space<hbm>>) target(%dma_start3A_119 : memref<16x80xf32, #tpu.memory_space<vmem>>) offsets(%and3A_115 : vector<16xi32>) semaphore(%dma_start3A_124 : memref<!tpu.dma_semaphore, #tpu.memory_space<semaphore_mem>>)
      } else {
      }
      %gt3A_95 = arith.constant 3 : i32
      %gt3A_96 = arith.cmpi sgt, %shift_right_arithmetic3A_80, %gt3A_95 : i32
      %convert_element_type3A_97 = arith.extui %gt3A_96 : i1 to i32
      %cond3A_98 = arith.constant 0 : i32
      %cond3A_99 = arith.cmpi ne, %convert_element_type3A_97, %cond3A_98 : i32
      scf.if %cond3A_99 {
        %get3A = arith.constant 48 : index
        %get3A_112 = tpu.vector_load %arg9[%get3A] {strides = array<i32>} : memref<2080xi32, #tpu.memory_space<vmem>>, vector<16xi32>,
        %and3A_113 = arith.constant 8191 : i32
        %and3A_114 = vector.broadcast %and3A_113 : i32 to vector<16xi32>
        %and3A_115 = arith.andi %get3A_112, %and3A_114 : vector<16xi32>
        %dma_start3A_116 = arith.constant 3 : i32
        %dma_start3A_117 = arith.constant 48 : i32
        %dma_start3A_118 = arith.constant 0 : i32
        %dma_start3A_119 = tpu.memref_slice %arg11[%dma_start3A_117, %dma_start3A_118] : memref<64x80xf32, #tpu.memory_space<vmem>> -> memref<16x80xf32, #tpu.memory_space<vmem>>
        %dma_start3A_120 = arith.constant 0 : i32
        %dma_start3A_121 = arith.constant 0 : i32
        %dma_start3A_122 = tpu.memref_slice %arg4[%dma_start3A_120, %dma_start3A_121] : memref<4224x80xf32, #tpu.memory_space<hbm>> -> memref<4224x80xf32, #tpu.memory_space<hbm>>
        %dma_start3A_123 = tpu.memref_slice %arg14[%dma_start3A_116] : memref<4x!tpu.dma_semaphore, #tpu.memory_space<semaphore_mem>> -> memref<1x!tpu.dma_semaphore, #tpu.memory_space<semaphore_mem>>
        %dma_start3A_124 = tpu.memref_squeeze %dma_start3A_123 : memref<1x!tpu.dma_semaphore, #tpu.memory_space<semaphore_mem>> -> memref<!tpu.dma_semaphore, #tpu.memory_space<semaphore_mem>>
        tpu.enqueue_indirect_dma source(%dma_start3A_122 : memref<4224x80xf32, #tpu.memory_space<hbm>>) target(%dma_start3A_119 : memref<16x80xf32, #tpu.memory_space<vmem>>) offsets(%and3A_115 : vector<16xi32>) semaphore(%dma_start3A_124 : memref<!tpu.dma_semaphore, #tpu.memory_space<semaphore_mem>>)
      } else {
      }
      %while3A = arith.constant 0 : i32
      %while3A_100 = arith.constant 0 : i32
      %while3A_101 = arith.subi %shift_right_arithmetic3A_80, %while3A : i32
      %while3A_102 = arith.addi %while3A, %while3A_101 : i32
      %while3A_103 = arith.constant 1 : i32
      %while3A_104 = arith.divsi %while3A_101, %while3A_103 : i32
      %while3A_105 = arith.muli %while3A_104, %while3A_103 : i32
      %while3A_106 = arith.addi %while3A, %while3A_105 : i32
      %while3A_107 = arith.constant 1 : i32
      %while3A_108 = scf.for %while3A_112 = %while3A to %while3A_106 step %while3A_107 iter_args(%while3A_113 = %while3A_100) -> (i32)  : i32 {
        %and3A_114 = arith.constant 3 : i32
        %and3A_115 = arith.andi %while3A_112, %and3A_114 : i32
        %mul3A_116 = arith.constant 16 : i32
        %mul3A_117 = arith.muli %while3A_112, %mul3A_116 : i32
        %get3A = arith.index_cast %mul3A_117 : i32 to index
        %get3A_118 = tpu.vector_load %arg9[%get3A] {strides = array<i32>} : memref<2080xi32, #tpu.memory_space<vmem>>, vector<16xi32>,
        %and3A_119 = arith.constant 8191 : i32
        %and3A_120 = vector.broadcast %and3A_119 : i32 to vector<16xi32>
        %and3A_121 = arith.andi %get3A_118, %and3A_120 : vector<16xi32>
        %mul3A_122 = arith.constant 16 : i32
        %mul3A_123 = arith.muli %and3A_115, %mul3A_122 : i32
        %dma_wait3A_124 = arith.constant 0 : i32
        %dma_wait3A_125 = tpu.memref_slice %arg11[%mul3A_123, %dma_wait3A_124] : memref<64x80xf32, #tpu.memory_space<vmem>> -> memref<16x80xf32, #tpu.memory_space<vmem>>
        %dma_wait3A_126 = arith.constant 0 : i32
        %dma_wait3A_127 = arith.constant 0 : i32
        %dma_wait3A_128 = tpu.memref_slice %arg4[%dma_wait3A_126, %dma_wait3A_127] : memref<4224x80xf32, #tpu.memory_space<hbm>> -> memref<4224x80xf32, #tpu.memory_space<hbm>>
        %dma_wait3A_129 = tpu.memref_slice %arg14[%and3A_115] : memref<4x!tpu.dma_semaphore, #tpu.memory_space<semaphore_mem>> -> memref<1x!tpu.dma_semaphore, #tpu.memory_space<semaphore_mem>>
        %dma_wait3A_130 = tpu.memref_squeeze %dma_wait3A_129 : memref<1x!tpu.dma_semaphore, #tpu.memory_space<semaphore_mem>> -> memref<!tpu.dma_semaphore, #tpu.memory_space<semaphore_mem>>
        tpu.wait_indirect_dma semaphore(%dma_wait3A_130 : memref<!tpu.dma_semaphore, #tpu.memory_space<semaphore_mem>>) src(%dma_wait3A_128 : memref<4224x80xf32, #tpu.memory_space<hbm>>) dst(%dma_wait3A_125 : memref<16x80xf32, #tpu.memory_space<vmem>>)
        %mul3A_131 = arith.constant 16 : i32
        %mul3A_132 = arith.muli %while3A_112, %mul3A_131 : i32
        %sub3A_133 = arith.subi %scan3A_76, %mul3A_132 : i32
        %min3A = arith.constant 16 : i32
        %min3A_134 = arith.minsi %sub3A_133, %min3A : i32
        %mul3A_135 = arith.constant 16 : i32
        %mul3A_136 = arith.muli %and3A_115, %mul3A_135 : i32
        %while3A_137 = arith.constant 0 : i32
        %while3A_138 = arith.constant 0 : i32
        %while3A_139 = arith.subi %min3A_134, %while3A_137 : i32
        %while3A_140 = arith.addi %while3A_137, %while3A_139 : i32
        %while3A_141 = arith.constant 1 : i32
        %while3A_142 = arith.divsi %while3A_139, %while3A_141 : i32
        %while3A_143 = arith.muli %while3A_142, %while3A_141 : i32
        %while3A_144 = arith.addi %while3A_137, %while3A_143 : i32
        %while3A_145 = arith.constant 1 : i32
        %while3A_146 = scf.for %while3A_156 = %while3A_137 to %while3A_144 step %while3A_145 iter_args(%while3A_157 = %while3A_138) -> (i32)  : i32 {
          %mul3A_158 = arith.constant 16 : i32
          %mul3A_159 = arith.muli %while3A_112, %mul3A_158 : i32
          %add3A_160 = arith.addi %mul3A_159, %while3A_156 : i32
          %get3A_161 = arith.index_cast %add3A_160 : i32 to index
          %get3A_162 = tpu.vector_load %arg9[%get3A_161] {strides = array<i32>} : memref<2080xi32, #tpu.memory_space<vmem>>, vector<16xi32>,
          %slice3A = vector.extract_strided_slice %get3A_162 {offsets = [0], sizes = [1], strides = [1]} : vector<16xi32> to vector<1xi32>
          %squeeze3A = vector.extract %slice3A[0] : i32 from vector<1xi32>
          %mul3A_163 = arith.constant 16 : i32
          %mul3A_164 = arith.muli %while3A_112, %mul3A_163 : i32
          %add3A_165 = arith.addi %mul3A_164, %while3A_156 : i32
          %get3A_166 = arith.index_cast %add3A_165 : i32 to index
          %get3A_167 = tpu.vector_load %arg10[%get3A_166] {strides = array<i32>} : memref<2080xf32, #tpu.memory_space<vmem>>, vector<16xf32>,
          %slice3A_168 = vector.extract_strided_slice %get3A_167 {offsets = [0], sizes = [1], strides = [1]} : vector<16xf32> to vector<1xf32>
          %squeeze3A_169 = vector.extract %slice3A_168[0] : f32 from vector<1xf32>
          %shift_right_arithmetic3A_170 = arith.constant 13 : i32
          %shift_right_arithmetic3A_171 = arith.shrsi %squeeze3A, %shift_right_arithmetic3A_170 : i32
          %and3A_172 = arith.constant 2047 : i32
          %and3A_173 = arith.andi %shift_right_arithmetic3A_171, %and3A_172 : i32
          %mul3A_174 = arith.constant 80 : i32
          %mul3A_175 = arith.muli %and3A_173, %mul3A_174 : i32
          %add3A_176 = arith.constant 0 : i32
          %add3A_177 = arith.addi %mul3A_175, %add3A_176 : i32
          %add3A_178 = arith.addi %mul3A_136, %while3A_156 : i32
          %get3A_179 = arith.index_cast %add3A_178 : i32 to index
          %get3A_180 = arith.constant 0 : index
          %get3A_181 = tpu.vector_load %arg11[%get3A_179, %get3A_180] {strides = array<i32>} : memref<64x80xf32, #tpu.memory_space<vmem>>, vector<16xf32>,
          %mul3A_182 = vector.broadcast %squeeze3A_169 : f32 to vector<16xf32>
          %mul3A_183 = arith.mulf %mul3A_182, %get3A_181 : vector<16xf32>
          %swap3A = arith.index_cast %add3A_177 : i32 to index
          %swap3A_184 = tpu.vector_load %arg6[%swap3A] {strides = array<i32>} : memref<100000xf32, #tpu.memory_space<vmem>>, vector<16xf32>,
          tpu.vector_store %arg6[%swap3A], %mul3A_183 {add = true, strides = array<i32>} : memref<100000xf32, #tpu.memory_space<vmem>>, vector<16xf32>,
          %add3A_185 = arith.constant 16 : i32
          %add3A_186 = arith.addi %mul3A_175, %add3A_185 : i32
          %add3A_187 = arith.addi %mul3A_136, %while3A_156 : i32
          %get3A_188 = arith.index_cast %add3A_187 : i32 to index
          %get3A_189 = arith.constant 16 : index
          %get3A_190 = tpu.vector_load %arg11[%get3A_188, %get3A_189] {strides = array<i32>} : memref<64x80xf32, #tpu.memory_space<vmem>>, vector<16xf32>,
          %mul3A_191 = vector.broadcast %squeeze3A_169 : f32 to vector<16xf32>
          %mul3A_192 = arith.mulf %mul3A_191, %get3A_190 : vector<16xf32>
          %swap3A_193 = arith.index_cast %add3A_186 : i32 to index
          %swap3A_194 = tpu.vector_load %arg6[%swap3A_193] {strides = array<i32>} : memref<100000xf32, #tpu.memory_space<vmem>>, vector<16xf32>,
          tpu.vector_store %arg6[%swap3A_193], %mul3A_192 {add = true, strides = array<i32>} : memref<100000xf32, #tpu.memory_space<vmem>>, vector<16xf32>,
          %add3A_195 = arith.constant 32 : i32
          %add3A_196 = arith.addi %mul3A_175, %add3A_195 : i32
          %add3A_197 = arith.addi %mul3A_136, %while3A_156 : i32
          %get3A_198 = arith.index_cast %add3A_197 : i32 to index
          %get3A_199 = arith.constant 32 : index
          %get3A_200 = tpu.vector_load %arg11[%get3A_198, %get3A_199] {strides = array<i32>} : memref<64x80xf32, #tpu.memory_space<vmem>>, vector<16xf32>,
          %mul3A_201 = vector.broadcast %squeeze3A_169 : f32 to vector<16xf32>
          %mul3A_202 = arith.mulf %mul3A_201, %get3A_200 : vector<16xf32>
          %swap3A_203 = arith.index_cast %add3A_196 : i32 to index
          %swap3A_204 = tpu.vector_load %arg6[%swap3A_203] {strides = array<i32>} : memref<100000xf32, #tpu.memory_space<vmem>>, vector<16xf32>,
          tpu.vector_store %arg6[%swap3A_203], %mul3A_202 {add = true, strides = array<i32>} : memref<100000xf32, #tpu.memory_space<vmem>>, vector<16xf32>,
          %add3A_205 = arith.constant 48 : i32
          %add3A_206 = arith.addi %mul3A_175, %add3A_205 : i32
          %add3A_207 = arith.addi %mul3A_136, %while3A_156 : i32
          %get3A_208 = arith.index_cast %add3A_207 : i32 to index
          %get3A_209 = arith.constant 48 : index
          %get3A_210 = tpu.vector_load %arg11[%get3A_208, %get3A_209] {strides = array<i32>} : memref<64x80xf32, #tpu.memory_space<vmem>>, vector<16xf32>,
          %mul3A_211 = vector.broadcast %squeeze3A_169 : f32 to vector<16xf32>
          %mul3A_212 = arith.mulf %mul3A_211, %get3A_210 : vector<16xf32>
          %swap3A_213 = arith.index_cast %add3A_206 : i32 to index
          %swap3A_214 = tpu.vector_load %arg6[%swap3A_213] {strides = array<i32>} : memref<100000xf32, #tpu.memory_space<vmem>>, vector<16xf32>,
          tpu.vector_store %arg6[%swap3A_213], %mul3A_212 {add = true, strides = array<i32>} : memref<100000xf32, #tpu.memory_space<vmem>>, vector<16xf32>,
          %add3A_215 = arith.constant 64 : i32
          %add3A_216 = arith.addi %mul3A_175, %add3A_215 : i32
          %add3A_217 = arith.addi %mul3A_136, %while3A_156 : i32
          %get3A_218 = arith.index_cast %add3A_217 : i32 to index
          %get3A_219 = arith.constant 64 : index
          %get3A_220 = tpu.vector_load %arg11[%get3A_218, %get3A_219] {strides = array<i32>} : memref<64x80xf32, #tpu.memory_space<vmem>>, vector<16xf32>,
          %mul3A_221 = vector.broadcast %squeeze3A_169 : f32 to vector<16xf32>
          %mul3A_222 = arith.mulf %mul3A_221, %get3A_220 : vector<16xf32>
          %swap3A_223 = arith.index_cast %add3A_216 : i32 to index
          %swap3A_224 = tpu.vector_load %arg6[%swap3A_223] {strides = array<i32>} : memref<100000xf32, #tpu.memory_space<vmem>>, vector<16xf32>,
          tpu.vector_store %arg6[%swap3A_223], %mul3A_222 {add = true, strides = array<i32>} : memref<100000xf32, #tpu.memory_space<vmem>>, vector<16xf32>,
          %while3A_225 = arith.constant 0 : i32
          scf.yield %while3A_225 : i32
        }
        %while3A_147 = arith.constant 1 : i32
        %while3A_148 = scf.for %while3A_156 = %while3A_144 to %while3A_140 step %while3A_147 iter_args(%while3A_157 = %while3A_146) -> (i32)  : i32 {
          %mul3A_158 = arith.constant 16 : i32
          %mul3A_159 = arith.muli %while3A_112, %mul3A_158 : i32
          %add3A_160 = arith.addi %mul3A_159, %while3A_156 : i32
          %get3A_161 = arith.index_cast %add3A_160 : i32 to index
          %get3A_162 = tpu.vector_load %arg9[%get3A_161] {strides = array<i32>} : memref<2080xi32, #tpu.memory_space<vmem>>, vector<16xi32>,
          %slice3A = vector.extract_strided_slice %get3A_162 {offsets = [0], sizes = [1], strides = [1]} : vector<16xi32> to vector<1xi32>
          %squeeze3A = vector.extract %slice3A[0] : i32 from vector<1xi32>
          %mul3A_163 = arith.constant 16 : i32
          %mul3A_164 = arith.muli %while3A_112, %mul3A_163 : i32
          %add3A_165 = arith.addi %mul3A_164, %while3A_156 : i32
          %get3A_166 = arith.index_cast %add3A_165 : i32 to index
          %get3A_167 = tpu.vector_load %arg10[%get3A_166] {strides = array<i32>} : memref<2080xf32, #tpu.memory_space<vmem>>, vector<16xf32>,
          %slice3A_168 = vector.extract_strided_slice %get3A_167 {offsets = [0], sizes = [1], strides = [1]} : vector<16xf32> to vector<1xf32>
          %squeeze3A_169 = vector.extract %slice3A_168[0] : f32 from vector<1xf32>
          %shift_right_arithmetic3A_170 = arith.constant 13 : i32
          %shift_right_arithmetic3A_171 = arith.shrsi %squeeze3A, %shift_right_arithmetic3A_170 : i32
          %and3A_172 = arith.constant 2047 : i32
          %and3A_173 = arith.andi %shift_right_arithmetic3A_171, %and3A_172 : i32
          %mul3A_174 = arith.constant 80 : i32
          %mul3A_175 = arith.muli %and3A_173, %mul3A_174 : i32
          %add3A_176 = arith.constant 0 : i32
          %add3A_177 = arith.addi %mul3A_175, %add3A_176 : i32
          %add3A_178 = arith.addi %mul3A_136, %while3A_156 : i32
          %get3A_179 = arith.index_cast %add3A_178 : i32 to index
          %get3A_180 = arith.constant 0 : index
          %get3A_181 = tpu.vector_load %arg11[%get3A_179, %get3A_180] {strides = array<i32>} : memref<64x80xf32, #tpu.memory_space<vmem>>, vector<16xf32>,
          %mul3A_182 = vector.broadcast %squeeze3A_169 : f32 to vector<16xf32>
          %mul3A_183 = arith.mulf %mul3A_182, %get3A_181 : vector<16xf32>
          %swap3A = arith.index_cast %add3A_177 : i32 to index
          %swap3A_184 = tpu.vector_load %arg6[%swap3A] {strides = array<i32>} : memref<100000xf32, #tpu.memory_space<vmem>>, vector<16xf32>,
          tpu.vector_store %arg6[%swap3A], %mul3A_183 {add = true, strides = array<i32>} : memref<100000xf32, #tpu.memory_space<vmem>>, vector<16xf32>,
          %add3A_185 = arith.constant 16 : i32
          %add3A_186 = arith.addi %mul3A_175, %add3A_185 : i32
          %add3A_187 = arith.addi %mul3A_136, %while3A_156 : i32
          %get3A_188 = arith.index_cast %add3A_187 : i32 to index
          %get3A_189 = arith.constant 16 : index
          %get3A_190 = tpu.vector_load %arg11[%get3A_188, %get3A_189] {strides = array<i32>} : memref<64x80xf32, #tpu.memory_space<vmem>>, vector<16xf32>,
          %mul3A_191 = vector.broadcast %squeeze3A_169 : f32 to vector<16xf32>
          %mul3A_192 = arith.mulf %mul3A_191, %get3A_190 : vector<16xf32>
          %swap3A_193 = arith.index_cast %add3A_186 : i32 to index
          %swap3A_194 = tpu.vector_load %arg6[%swap3A_193] {strides = array<i32>} : memref<100000xf32, #tpu.memory_space<vmem>>, vector<16xf32>,
          tpu.vector_store %arg6[%swap3A_193], %mul3A_192 {add = true, strides = array<i32>} : memref<100000xf32, #tpu.memory_space<vmem>>, vector<16xf32>,
          %add3A_195 = arith.constant 32 : i32
          %add3A_196 = arith.addi %mul3A_175, %add3A_195 : i32
          %add3A_197 = arith.addi %mul3A_136, %while3A_156 : i32
          %get3A_198 = arith.index_cast %add3A_197 : i32 to index
          %get3A_199 = arith.constant 32 : index
          %get3A_200 = tpu.vector_load %arg11[%get3A_198, %get3A_199] {strides = array<i32>} : memref<64x80xf32, #tpu.memory_space<vmem>>, vector<16xf32>,
          %mul3A_201 = vector.broadcast %squeeze3A_169 : f32 to vector<16xf32>
          %mul3A_202 = arith.mulf %mul3A_201, %get3A_200 : vector<16xf32>
          %swap3A_203 = arith.index_cast %add3A_196 : i32 to index
          %swap3A_204 = tpu.vector_load %arg6[%swap3A_203] {strides = array<i32>} : memref<100000xf32, #tpu.memory_space<vmem>>, vector<16xf32>,
          tpu.vector_store %arg6[%swap3A_203], %mul3A_202 {add = true, strides = array<i32>} : memref<100000xf32, #tpu.memory_space<vmem>>, vector<16xf32>,
          %add3A_205 = arith.constant 48 : i32
          %add3A_206 = arith.addi %mul3A_175, %add3A_205 : i32
          %add3A_207 = arith.addi %mul3A_136, %while3A_156 : i32
          %get3A_208 = arith.index_cast %add3A_207 : i32 to index
          %get3A_209 = arith.constant 48 : index
          %get3A_210 = tpu.vector_load %arg11[%get3A_208, %get3A_209] {strides = array<i32>} : memref<64x80xf32, #tpu.memory_space<vmem>>, vector<16xf32>,
          %mul3A_211 = vector.broadcast %squeeze3A_169 : f32 to vector<16xf32>
          %mul3A_212 = arith.mulf %mul3A_211, %get3A_210 : vector<16xf32>
          %swap3A_213 = arith.index_cast %add3A_206 : i32 to index
          %swap3A_214 = tpu.vector_load %arg6[%swap3A_213] {strides = array<i32>} : memref<100000xf32, #tpu.memory_space<vmem>>, vector<16xf32>,
          tpu.vector_store %arg6[%swap3A_213], %mul3A_212 {add = true, strides = array<i32>} : memref<100000xf32, #tpu.memory_space<vmem>>, vector<16xf32>,
          %add3A_215 = arith.constant 64 : i32
          %add3A_216 = arith.addi %mul3A_175, %add3A_215 : i32
          %add3A_217 = arith.addi %mul3A_136, %while3A_156 : i32
          %get3A_218 = arith.index_cast %add3A_217 : i32 to index
          %get3A_219 = arith.constant 64 : index
          %get3A_220 = tpu.vector_load %arg11[%get3A_218, %get3A_219] {strides = array<i32>} : memref<64x80xf32, #tpu.memory_space<vmem>>, vector<16xf32>,
          %mul3A_221 = vector.broadcast %squeeze3A_169 : f32 to vector<16xf32>
          %mul3A_222 = arith.mulf %mul3A_221, %get3A_220 : vector<16xf32>
          %swap3A_223 = arith.index_cast %add3A_216 : i32 to index
          %swap3A_224 = tpu.vector_load %arg6[%swap3A_223] {strides = array<i32>} : memref<100000xf32, #tpu.memory_space<vmem>>, vector<16xf32>,
          tpu.vector_store %arg6[%swap3A_223], %mul3A_222 {add = true, strides = array<i32>} : memref<100000xf32, #tpu.memory_space<vmem>>, vector<16xf32>,
          %while3A_225 = arith.constant 0 : i32
          scf.yield %while3A_225 : i32
        }
        %add3A_149 = arith.constant 4 : i32
        %add3A_150 = arith.addi %while3A_112, %add3A_149 : i32
        %lt3A_151 = arith.cmpi slt, %add3A_150, %shift_right_arithmetic3A_80 : i32
        %convert_element_type3A_152 = arith.extui %lt3A_151 : i1 to i32
        %cond3A_153 = arith.constant 0 : i32
        %cond3A_154 = arith.cmpi ne, %convert_element_type3A_152, %cond3A_153 : i32
        scf.if %cond3A_154 {
          %mul3A_156 = arith.constant 16 : i32
          %mul3A_157 = arith.muli %add3A_150, %mul3A_156 : i32
          %get3A_158 = arith.index_cast %mul3A_157 : i32 to index
          %get3A_159 = tpu.vector_load %arg9[%get3A_158] {strides = array<i32>} : memref<2080xi32, #tpu.memory_space<vmem>>, vector<16xi32>,
          %and3A_160 = arith.constant 8191 : i32
          %and3A_161 = vector.broadcast %and3A_160 : i32 to vector<16xi32>
          %and3A_162 = arith.andi %get3A_159, %and3A_161 : vector<16xi32>
          %mul3A_163 = arith.constant 16 : i32
          %mul3A_164 = arith.muli %and3A_115, %mul3A_163 : i32
          %dma_start3A_165 = arith.constant 0 : i32
          %dma_start3A_166 = tpu.memref_slice %arg11[%mul3A_164, %dma_start3A_165] : memref<64x80xf32, #tpu.memory_space<vmem>> -> memref<16x80xf32, #tpu.memory_space<vmem>>
          %dma_start3A_167 = arith.constant 0 : i32
          %dma_start3A_168 = arith.constant 0 : i32
          %dma_start3A_169 = tpu.memref_slice %arg4[%dma_start3A_167, %dma_start3A_168] : memref<4224x80xf32, #tpu.memory_space<hbm>> -> memref<4224x80xf32, #tpu.memory_space<hbm>>
          %dma_start3A_170 = tpu.memref_slice %arg14[%and3A_115] : memref<4x!tpu.dma_semaphore, #tpu.memory_space<semaphore_mem>> -> memref<1x!tpu.dma_semaphore, #tpu.memory_space<semaphore_mem>>
          %dma_start3A_171 = tpu.memref_squeeze %dma_start3A_170 : memref<1x!tpu.dma_semaphore, #tpu.memory_space<semaphore_mem>> -> memref<!tpu.dma_semaphore, #tpu.memory_space<semaphore_mem>>
          tpu.enqueue_indirect_dma source(%dma_start3A_169 : memref<4224x80xf32, #tpu.memory_space<hbm>>) target(%dma_start3A_166 : memref<16x80xf32, #tpu.memory_space<vmem>>) offsets(%and3A_162 : vector<16xi32>) semaphore(%dma_start3A_171 : memref<!tpu.dma_semaphore, #tpu.memory_space<semaphore_mem>>)
        } else {
        }
        %while3A_155 = arith.constant 0 : i32
        scf.yield %while3A_155 : i32
      }
      %while3A_109 = arith.constant 1 : i32
      %while3A_110 = scf.for %while3A_112 = %while3A_106 to %while3A_102 step %while3A_109 iter_args(%while3A_113 = %while3A_108) -> (i32)  : i32 {
        %and3A_114 = arith.constant 3 : i32
        %and3A_115 = arith.andi %while3A_112, %and3A_114 : i32
        %mul3A_116 = arith.constant 16 : i32
        %mul3A_117 = arith.muli %while3A_112, %mul3A_116 : i32
        %get3A = arith.index_cast %mul3A_117 : i32 to index
        %get3A_118 = tpu.vector_load %arg9[%get3A] {strides = array<i32>} : memref<2080xi32, #tpu.memory_space<vmem>>, vector<16xi32>,
        %and3A_119 = arith.constant 8191 : i32
        %and3A_120 = vector.broadcast %and3A_119 : i32 to vector<16xi32>
        %and3A_121 = arith.andi %get3A_118, %and3A_120 : vector<16xi32>
        %mul3A_122 = arith.constant 16 : i32
        %mul3A_123 = arith.muli %and3A_115, %mul3A_122 : i32
        %dma_wait3A_124 = arith.constant 0 : i32
        %dma_wait3A_125 = tpu.memref_slice %arg11[%mul3A_123, %dma_wait3A_124] : memref<64x80xf32, #tpu.memory_space<vmem>> -> memref<16x80xf32, #tpu.memory_space<vmem>>
        %dma_wait3A_126 = arith.constant 0 : i32
        %dma_wait3A_127 = arith.constant 0 : i32
        %dma_wait3A_128 = tpu.memref_slice %arg4[%dma_wait3A_126, %dma_wait3A_127] : memref<4224x80xf32, #tpu.memory_space<hbm>> -> memref<4224x80xf32, #tpu.memory_space<hbm>>
        %dma_wait3A_129 = tpu.memref_slice %arg14[%and3A_115] : memref<4x!tpu.dma_semaphore, #tpu.memory_space<semaphore_mem>> -> memref<1x!tpu.dma_semaphore, #tpu.memory_space<semaphore_mem>>
        %dma_wait3A_130 = tpu.memref_squeeze %dma_wait3A_129 : memref<1x!tpu.dma_semaphore, #tpu.memory_space<semaphore_mem>> -> memref<!tpu.dma_semaphore, #tpu.memory_space<semaphore_mem>>
        tpu.wait_indirect_dma semaphore(%dma_wait3A_130 : memref<!tpu.dma_semaphore, #tpu.memory_space<semaphore_mem>>) src(%dma_wait3A_128 : memref<4224x80xf32, #tpu.memory_space<hbm>>) dst(%dma_wait3A_125 : memref<16x80xf32, #tpu.memory_space<vmem>>)
        %mul3A_131 = arith.constant 16 : i32
        %mul3A_132 = arith.muli %while3A_112, %mul3A_131 : i32
        %sub3A_133 = arith.subi %scan3A_76, %mul3A_132 : i32
        %min3A = arith.constant 16 : i32
        %min3A_134 = arith.minsi %sub3A_133, %min3A : i32
        %mul3A_135 = arith.constant 16 : i32
        %mul3A_136 = arith.muli %and3A_115, %mul3A_135 : i32
        %while3A_137 = arith.constant 0 : i32
        %while3A_138 = arith.constant 0 : i32
        %while3A_139 = arith.subi %min3A_134, %while3A_137 : i32
        %while3A_140 = arith.addi %while3A_137, %while3A_139 : i32
        %while3A_141 = arith.constant 1 : i32
        %while3A_142 = arith.divsi %while3A_139, %while3A_141 : i32
        %while3A_143 = arith.muli %while3A_142, %while3A_141 : i32
        %while3A_144 = arith.addi %while3A_137, %while3A_143 : i32
        %while3A_145 = arith.constant 1 : i32
        %while3A_146 = scf.for %while3A_156 = %while3A_137 to %while3A_144 step %while3A_145 iter_args(%while3A_157 = %while3A_138) -> (i32)  : i32 {
          %mul3A_158 = arith.constant 16 : i32
          %mul3A_159 = arith.muli %while3A_112, %mul3A_158 : i32
          %add3A_160 = arith.addi %mul3A_159, %while3A_156 : i32
          %get3A_161 = arith.index_cast %add3A_160 : i32 to index
          %get3A_162 = tpu.vector_load %arg9[%get3A_161] {strides = array<i32>} : memref<2080xi32, #tpu.memory_space<vmem>>, vector<16xi32>,
          %slice3A = vector.extract_strided_slice %get3A_162 {offsets = [0], sizes = [1], strides = [1]} : vector<16xi32> to vector<1xi32>
          %squeeze3A = vector.extract %slice3A[0] : i32 from vector<1xi32>
          %mul3A_163 = arith.constant 16 : i32
          %mul3A_164 = arith.muli %while3A_112, %mul3A_163 : i32
          %add3A_165 = arith.addi %mul3A_164, %while3A_156 : i32
          %get3A_166 = arith.index_cast %add3A_165 : i32 to index
          %get3A_167 = tpu.vector_load %arg10[%get3A_166] {strides = array<i32>} : memref<2080xf32, #tpu.memory_space<vmem>>, vector<16xf32>,
          %slice3A_168 = vector.extract_strided_slice %get3A_167 {offsets = [0], sizes = [1], strides = [1]} : vector<16xf32> to vector<1xf32>
          %squeeze3A_169 = vector.extract %slice3A_168[0] : f32 from vector<1xf32>
          %shift_right_arithmetic3A_170 = arith.constant 13 : i32
          %shift_right_arithmetic3A_171 = arith.shrsi %squeeze3A, %shift_right_arithmetic3A_170 : i32
          %and3A_172 = arith.constant 2047 : i32
          %and3A_173 = arith.andi %shift_right_arithmetic3A_171, %and3A_172 : i32
          %mul3A_174 = arith.constant 80 : i32
          %mul3A_175 = arith.muli %and3A_173, %mul3A_174 : i32
          %add3A_176 = arith.constant 0 : i32
          %add3A_177 = arith.addi %mul3A_175, %add3A_176 : i32
          %add3A_178 = arith.addi %mul3A_136, %while3A_156 : i32
          %get3A_179 = arith.index_cast %add3A_178 : i32 to index
          %get3A_180 = arith.constant 0 : index
          %get3A_181 = tpu.vector_load %arg11[%get3A_179, %get3A_180] {strides = array<i32>} : memref<64x80xf32, #tpu.memory_space<vmem>>, vector<16xf32>,
          %mul3A_182 = vector.broadcast %squeeze3A_169 : f32 to vector<16xf32>
          %mul3A_183 = arith.mulf %mul3A_182, %get3A_181 : vector<16xf32>
          %swap3A = arith.index_cast %add3A_177 : i32 to index
          %swap3A_184 = tpu.vector_load %arg6[%swap3A] {strides = array<i32>} : memref<100000xf32, #tpu.memory_space<vmem>>, vector<16xf32>,
          tpu.vector_store %arg6[%swap3A], %mul3A_183 {add = true, strides = array<i32>} : memref<100000xf32, #tpu.memory_space<vmem>>, vector<16xf32>,
          %add3A_185 = arith.constant 16 : i32
          %add3A_186 = arith.addi %mul3A_175, %add3A_185 : i32
          %add3A_187 = arith.addi %mul3A_136, %while3A_156 : i32
          %get3A_188 = arith.index_cast %add3A_187 : i32 to index
          %get3A_189 = arith.constant 16 : index
          %get3A_190 = tpu.vector_load %arg11[%get3A_188, %get3A_189] {strides = array<i32>} : memref<64x80xf32, #tpu.memory_space<vmem>>, vector<16xf32>,
          %mul3A_191 = vector.broadcast %squeeze3A_169 : f32 to vector<16xf32>
          %mul3A_192 = arith.mulf %mul3A_191, %get3A_190 : vector<16xf32>
          %swap3A_193 = arith.index_cast %add3A_186 : i32 to index
          %swap3A_194 = tpu.vector_load %arg6[%swap3A_193] {strides = array<i32>} : memref<100000xf32, #tpu.memory_space<vmem>>, vector<16xf32>,
          tpu.vector_store %arg6[%swap3A_193], %mul3A_192 {add = true, strides = array<i32>} : memref<100000xf32, #tpu.memory_space<vmem>>, vector<16xf32>,
          %add3A_195 = arith.constant 32 : i32
          %add3A_196 = arith.addi %mul3A_175, %add3A_195 : i32
          %add3A_197 = arith.addi %mul3A_136, %while3A_156 : i32
          %get3A_198 = arith.index_cast %add3A_197 : i32 to index
          %get3A_199 = arith.constant 32 : index
          %get3A_200 = tpu.vector_load %arg11[%get3A_198, %get3A_199] {strides = array<i32>} : memref<64x80xf32, #tpu.memory_space<vmem>>, vector<16xf32>,
          %mul3A_201 = vector.broadcast %squeeze3A_169 : f32 to vector<16xf32>
          %mul3A_202 = arith.mulf %mul3A_201, %get3A_200 : vector<16xf32>
          %swap3A_203 = arith.index_cast %add3A_196 : i32 to index
          %swap3A_204 = tpu.vector_load %arg6[%swap3A_203] {strides = array<i32>} : memref<100000xf32, #tpu.memory_space<vmem>>, vector<16xf32>,
          tpu.vector_store %arg6[%swap3A_203], %mul3A_202 {add = true, strides = array<i32>} : memref<100000xf32, #tpu.memory_space<vmem>>, vector<16xf32>,
          %add3A_205 = arith.constant 48 : i32
          %add3A_206 = arith.addi %mul3A_175, %add3A_205 : i32
          %add3A_207 = arith.addi %mul3A_136, %while3A_156 : i32
          %get3A_208 = arith.index_cast %add3A_207 : i32 to index
          %get3A_209 = arith.constant 48 : index
          %get3A_210 = tpu.vector_load %arg11[%get3A_208, %get3A_209] {strides = array<i32>} : memref<64x80xf32, #tpu.memory_space<vmem>>, vector<16xf32>,
          %mul3A_211 = vector.broadcast %squeeze3A_169 : f32 to vector<16xf32>
          %mul3A_212 = arith.mulf %mul3A_211, %get3A_210 : vector<16xf32>
          %swap3A_213 = arith.index_cast %add3A_206 : i32 to index
          %swap3A_214 = tpu.vector_load %arg6[%swap3A_213] {strides = array<i32>} : memref<100000xf32, #tpu.memory_space<vmem>>, vector<16xf32>,
          tpu.vector_store %arg6[%swap3A_213], %mul3A_212 {add = true, strides = array<i32>} : memref<100000xf32, #tpu.memory_space<vmem>>, vector<16xf32>,
          %add3A_215 = arith.constant 64 : i32
          %add3A_216 = arith.addi %mul3A_175, %add3A_215 : i32
          %add3A_217 = arith.addi %mul3A_136, %while3A_156 : i32
          %get3A_218 = arith.index_cast %add3A_217 : i32 to index
          %get3A_219 = arith.constant 64 : index
          %get3A_220 = tpu.vector_load %arg11[%get3A_218, %get3A_219] {strides = array<i32>} : memref<64x80xf32, #tpu.memory_space<vmem>>, vector<16xf32>,
          %mul3A_221 = vector.broadcast %squeeze3A_169 : f32 to vector<16xf32>
          %mul3A_222 = arith.mulf %mul3A_221, %get3A_220 : vector<16xf32>
          %swap3A_223 = arith.index_cast %add3A_216 : i32 to index
          %swap3A_224 = tpu.vector_load %arg6[%swap3A_223] {strides = array<i32>} : memref<100000xf32, #tpu.memory_space<vmem>>, vector<16xf32>,
          tpu.vector_store %arg6[%swap3A_223], %mul3A_222 {add = true, strides = array<i32>} : memref<100000xf32, #tpu.memory_space<vmem>>, vector<16xf32>,
          %while3A_225 = arith.constant 0 : i32
          scf.yield %while3A_225 : i32
        }
        %while3A_147 = arith.constant 1 : i32
        %while3A_148 = scf.for %while3A_156 = %while3A_144 to %while3A_140 step %while3A_147 iter_args(%while3A_157 = %while3A_146) -> (i32)  : i32 {
          %mul3A_158 = arith.constant 16 : i32
          %mul3A_159 = arith.muli %while3A_112, %mul3A_158 : i32
          %add3A_160 = arith.addi %mul3A_159, %while3A_156 : i32
          %get3A_161 = arith.index_cast %add3A_160 : i32 to index
          %get3A_162 = tpu.vector_load %arg9[%get3A_161] {strides = array<i32>} : memref<2080xi32, #tpu.memory_space<vmem>>, vector<16xi32>,
          %slice3A = vector.extract_strided_slice %get3A_162 {offsets = [0], sizes = [1], strides = [1]} : vector<16xi32> to vector<1xi32>
          %squeeze3A = vector.extract %slice3A[0] : i32 from vector<1xi32>
          %mul3A_163 = arith.constant 16 : i32
          %mul3A_164 = arith.muli %while3A_112, %mul3A_163 : i32
          %add3A_165 = arith.addi %mul3A_164, %while3A_156 : i32
          %get3A_166 = arith.index_cast %add3A_165 : i32 to index
          %get3A_167 = tpu.vector_load %arg10[%get3A_166] {strides = array<i32>} : memref<2080xf32, #tpu.memory_space<vmem>>, vector<16xf32>,
          %slice3A_168 = vector.extract_strided_slice %get3A_167 {offsets = [0], sizes = [1], strides = [1]} : vector<16xf32> to vector<1xf32>
          %squeeze3A_169 = vector.extract %slice3A_168[0] : f32 from vector<1xf32>
          %shift_right_arithmetic3A_170 = arith.constant 13 : i32
          %shift_right_arithmetic3A_171 = arith.shrsi %squeeze3A, %shift_right_arithmetic3A_170 : i32
          %and3A_172 = arith.constant 2047 : i32
          %and3A_173 = arith.andi %shift_right_arithmetic3A_171, %and3A_172 : i32
          %mul3A_174 = arith.constant 80 : i32
          %mul3A_175 = arith.muli %and3A_173, %mul3A_174 : i32
          %add3A_176 = arith.constant 0 : i32
          %add3A_177 = arith.addi %mul3A_175, %add3A_176 : i32
          %add3A_178 = arith.addi %mul3A_136, %while3A_156 : i32
          %get3A_179 = arith.index_cast %add3A_178 : i32 to index
          %get3A_180 = arith.constant 0 : index
          %get3A_181 = tpu.vector_load %arg11[%get3A_179, %get3A_180] {strides = array<i32>} : memref<64x80xf32, #tpu.memory_space<vmem>>, vector<16xf32>,
          %mul3A_182 = vector.broadcast %squeeze3A_169 : f32 to vector<16xf32>
          %mul3A_183 = arith.mulf %mul3A_182, %get3A_181 : vector<16xf32>
          %swap3A = arith.index_cast %add3A_177 : i32 to index
          %swap3A_184 = tpu.vector_load %arg6[%swap3A] {strides = array<i32>} : memref<100000xf32, #tpu.memory_space<vmem>>, vector<16xf32>,
          tpu.vector_store %arg6[%swap3A], %mul3A_183 {add = true, strides = array<i32>} : memref<100000xf32, #tpu.memory_space<vmem>>, vector<16xf32>,
          %add3A_185 = arith.constant 16 : i32
          %add3A_186 = arith.addi %mul3A_175, %add3A_185 : i32
          %add3A_187 = arith.addi %mul3A_136, %while3A_156 : i32
          %get3A_188 = arith.index_cast %add3A_187 : i32 to index
          %get3A_189 = arith.constant 16 : index
          %get3A_190 = tpu.vector_load %arg11[%get3A_188, %get3A_189] {strides = array<i32>} : memref<64x80xf32, #tpu.memory_space<vmem>>, vector<16xf32>,
          %mul3A_191 = vector.broadcast %squeeze3A_169 : f32 to vector<16xf32>
          %mul3A_192 = arith.mulf %mul3A_191, %get3A_190 : vector<16xf32>
          %swap3A_193 = arith.index_cast %add3A_186 : i32 to index
          %swap3A_194 = tpu.vector_load %arg6[%swap3A_193] {strides = array<i32>} : memref<100000xf32, #tpu.memory_space<vmem>>, vector<16xf32>,
          tpu.vector_store %arg6[%swap3A_193], %mul3A_192 {add = true, strides = array<i32>} : memref<100000xf32, #tpu.memory_space<vmem>>, vector<16xf32>,
          %add3A_195 = arith.constant 32 : i32
          %add3A_196 = arith.addi %mul3A_175, %add3A_195 : i32
          %add3A_197 = arith.addi %mul3A_136, %while3A_156 : i32
          %get3A_198 = arith.index_cast %add3A_197 : i32 to index
          %get3A_199 = arith.constant 32 : index
          %get3A_200 = tpu.vector_load %arg11[%get3A_198, %get3A_199] {strides = array<i32>} : memref<64x80xf32, #tpu.memory_space<vmem>>, vector<16xf32>,
          %mul3A_201 = vector.broadcast %squeeze3A_169 : f32 to vector<16xf32>
          %mul3A_202 = arith.mulf %mul3A_201, %get3A_200 : vector<16xf32>
          %swap3A_203 = arith.index_cast %add3A_196 : i32 to index
          %swap3A_204 = tpu.vector_load %arg6[%swap3A_203] {strides = array<i32>} : memref<100000xf32, #tpu.memory_space<vmem>>, vector<16xf32>,
          tpu.vector_store %arg6[%swap3A_203], %mul3A_202 {add = true, strides = array<i32>} : memref<100000xf32, #tpu.memory_space<vmem>>, vector<16xf32>,
          %add3A_205 = arith.constant 48 : i32
          %add3A_206 = arith.addi %mul3A_175, %add3A_205 : i32
          %add3A_207 = arith.addi %mul3A_136, %while3A_156 : i32
          %get3A_208 = arith.index_cast %add3A_207 : i32 to index
          %get3A_209 = arith.constant 48 : index
          %get3A_210 = tpu.vector_load %arg11[%get3A_208, %get3A_209] {strides = array<i32>} : memref<64x80xf32, #tpu.memory_space<vmem>>, vector<16xf32>,
          %mul3A_211 = vector.broadcast %squeeze3A_169 : f32 to vector<16xf32>
          %mul3A_212 = arith.mulf %mul3A_211, %get3A_210 : vector<16xf32>
          %swap3A_213 = arith.index_cast %add3A_206 : i32 to index
          %swap3A_214 = tpu.vector_load %arg6[%swap3A_213] {strides = array<i32>} : memref<100000xf32, #tpu.memory_space<vmem>>, vector<16xf32>,
          tpu.vector_store %arg6[%swap3A_213], %mul3A_212 {add = true, strides = array<i32>} : memref<100000xf32, #tpu.memory_space<vmem>>, vector<16xf32>,
          %add3A_215 = arith.constant 64 : i32
          %add3A_216 = arith.addi %mul3A_175, %add3A_215 : i32
          %add3A_217 = arith.addi %mul3A_136, %while3A_156 : i32
          %get3A_218 = arith.index_cast %add3A_217 : i32 to index
          %get3A_219 = arith.constant 64 : index
          %get3A_220 = tpu.vector_load %arg11[%get3A_218, %get3A_219] {strides = array<i32>} : memref<64x80xf32, #tpu.memory_space<vmem>>, vector<16xf32>,
          %mul3A_221 = vector.broadcast %squeeze3A_169 : f32 to vector<16xf32>
          %mul3A_222 = arith.mulf %mul3A_221, %get3A_220 : vector<16xf32>
          %swap3A_223 = arith.index_cast %add3A_216 : i32 to index
          %swap3A_224 = tpu.vector_load %arg6[%swap3A_223] {strides = array<i32>} : memref<100000xf32, #tpu.memory_space<vmem>>, vector<16xf32>,
          tpu.vector_store %arg6[%swap3A_223], %mul3A_222 {add = true, strides = array<i32>} : memref<100000xf32, #tpu.memory_space<vmem>>, vector<16xf32>,
          %while3A_225 = arith.constant 0 : i32
          scf.yield %while3A_225 : i32
        }
        %add3A_149 = arith.constant 4 : i32
        %add3A_150 = arith.addi %while3A_112, %add3A_149 : i32
        %lt3A_151 = arith.cmpi slt, %add3A_150, %shift_right_arithmetic3A_80 : i32
        %convert_element_type3A_152 = arith.extui %lt3A_151 : i1 to i32
        %cond3A_153 = arith.constant 0 : i32
        %cond3A_154 = arith.cmpi ne, %convert_element_type3A_152, %cond3A_153 : i32
        scf.if %cond3A_154 {
          %mul3A_156 = arith.constant 16 : i32
          %mul3A_157 = arith.muli %add3A_150, %mul3A_156 : i32
          %get3A_158 = arith.index_cast %mul3A_157 : i32 to index
          %get3A_159 = tpu.vector_load %arg9[%get3A_158] {strides = array<i32>} : memref<2080xi32, #tpu.memory_space<vmem>>, vector<16xi32>,
          %and3A_160 = arith.constant 8191 : i32
          %and3A_161 = vector.broadcast %and3A_160 : i32 to vector<16xi32>
          %and3A_162 = arith.andi %get3A_159, %and3A_161 : vector<16xi32>
          %mul3A_163 = arith.constant 16 : i32
          %mul3A_164 = arith.muli %and3A_115, %mul3A_163 : i32
          %dma_start3A_165 = arith.constant 0 : i32
          %dma_start3A_166 = tpu.memref_slice %arg11[%mul3A_164, %dma_start3A_165] : memref<64x80xf32, #tpu.memory_space<vmem>> -> memref<16x80xf32, #tpu.memory_space<vmem>>
          %dma_start3A_167 = arith.constant 0 : i32
          %dma_start3A_168 = arith.constant 0 : i32
          %dma_start3A_169 = tpu.memref_slice %arg4[%dma_start3A_167, %dma_start3A_168] : memref<4224x80xf32, #tpu.memory_space<hbm>> -> memref<4224x80xf32, #tpu.memory_space<hbm>>
          %dma_start3A_170 = tpu.memref_slice %arg14[%and3A_115] : memref<4x!tpu.dma_semaphore, #tpu.memory_space<semaphore_mem>> -> memref<1x!tpu.dma_semaphore, #tpu.memory_space<semaphore_mem>>
          %dma_start3A_171 = tpu.memref_squeeze %dma_start3A_170 : memref<1x!tpu.dma_semaphore, #tpu.memory_space<semaphore_mem>> -> memref<!tpu.dma_semaphore, #tpu.memory_space<semaphore_mem>>
          tpu.enqueue_indirect_dma source(%dma_start3A_169 : memref<4224x80xf32, #tpu.memory_space<hbm>>) target(%dma_start3A_166 : memref<16x80xf32, #tpu.memory_space<vmem>>) offsets(%and3A_162 : vector<16xi32>) semaphore(%dma_start3A_171 : memref<!tpu.dma_semaphore, #tpu.memory_space<semaphore_mem>>)
        } else {
        }
        %while3A_155 = arith.constant 0 : i32
        scf.yield %while3A_155 : i32
      }
      %scan3A_111 = arith.constant 0 : i32
      scf.yield %scan3A_111 : i32
    }
    %scan3A_41 = arith.constant 231 : i32
    "tpu.region"() ({
      %run_scoped3A = tpu.sem_alloc : memref<!tpu.dma_semaphore, #tpu.memory_space<semaphore_mem>>
      %dma_start3A_42 = arith.constant 0 : i32
      %dma_start3A_43 = tpu.memref_slice %arg5[%add3A, %dma_start3A_42] : memref<32x100000xf32, #tpu.memory_space<hbm>> -> memref<1x100000xf32, #tpu.memory_space<hbm>>
      %dma_start3A_44 = tpu.memref_squeeze %dma_start3A_43 : memref<1x100000xf32, #tpu.memory_space<hbm>> -> memref<100000xf32, #tpu.memory_space<hbm>>
      %dma_start3A_45 = arith.constant 0 : i32
      %dma_start3A_46 = tpu.memref_slice %arg5[%add3A, %dma_start3A_45] : memref<32x100000xf32, #tpu.memory_space<hbm>> -> memref<1x100000xf32, #tpu.memory_space<hbm>>
      %dma_start3A_47 = tpu.memref_squeeze %dma_start3A_46 : memref<1x100000xf32, #tpu.memory_space<hbm>> -> memref<100000xf32, #tpu.memory_space<hbm>>
      tpu.enqueue_dma source(%arg6 : memref<100000xf32, #tpu.memory_space<vmem>>) target(%dma_start3A_47 : memref<100000xf32, #tpu.memory_space<hbm>>) target_semaphore(%run_scoped3A : memref<!tpu.dma_semaphore, #tpu.memory_space<semaphore_mem>>)
      %dma_wait3A = arith.constant 0 : i32
      %dma_wait3A_48 = tpu.memref_slice %arg5[%add3A, %dma_wait3A] : memref<32x100000xf32, #tpu.memory_space<hbm>> -> memref<1x100000xf32, #tpu.memory_space<hbm>>
      %dma_wait3A_49 = tpu.memref_squeeze %dma_wait3A_48 : memref<1x100000xf32, #tpu.memory_space<hbm>> -> memref<100000xf32, #tpu.memory_space<hbm>>
      %dma_wait3A_50 = arith.constant 0 : i32
      %dma_wait3A_51 = tpu.memref_slice %arg5[%add3A, %dma_wait3A_50] : memref<32x100000xf32, #tpu.memory_space<hbm>> -> memref<1x100000xf32, #tpu.memory_space<hbm>>
      %dma_wait3A_52 = tpu.memref_squeeze %dma_wait3A_51 : memref<1x100000xf32, #tpu.memory_space<hbm>> -> memref<100000xf32, #tpu.memory_space<hbm>>
      tpu.wait_dma2 semaphore(%run_scoped3A : memref<!tpu.dma_semaphore, #tpu.memory_space<semaphore_mem>>) src(%arg6 : memref<100000xf32, #tpu.memory_space<vmem>>) dst(%dma_wait3A_52 : memref<100000xf32, #tpu.memory_space<hbm>>)
      tpu.yield
    }) : () -> ()
    return
  }
}

</mosaic_0001>

<sc_bundles>
// kernel: kernel.3.cloned.1.call-start
scs
__scs_entry_jumppad:
0x0: {  	(pc) =	sbr.rel $0x88, $3  }
0x1: {  	(tag) =	ssettag $0x0;
	lr =	simm.s32 $0x1  }
0x2: {  	[smem:$0x3F9B] =	sst lr;
	_ =	strace $0xD0000000  }
0x3: {  	_ = 	snop  }
0x4: {  	_ = 	snop  }
0x5: {  	_ = 	snop  }
0x6: {  	_ = 	snop  }
0x7: {  	_ = 	snop  }
__scs_overlays_trampoline_lowered:
0x8: {  	[smem:$0x3FAA] =	sst s0  }
0x9: {  	[smem:$0x3FAB] =	sst s1  }
0xa: {  	[smem:$0x3FAC] =	sst s2  }
0xb: {  	[smem:$0x3FAD] =	sst s3  }
0xc: {  	[smem:$0x3FAE] =	sst s4  }
0xd: {  	[smem:$0x3FAF] =	sst s5  }
0xe: {  	[smem:$0x3FB0] =	sst s6  }
0xf: {  	[smem:$0x3FB1] =	sst s7  }
0x10: {  	[smem:$0x3FB2] =	sst s8  }
0x11: {  	[smem:$0x3FB3] =	sst s9;
	s0 =	simm.s32 @!p0 $0x0  }
0x12: {  	s1 =	sld [smem:$0x3F99];
	s0 =	simm.s32 @p0 $0x1  }
0x13: {  	[smem:$0x3FB4] =	sst s0;
	s0 =	simm.s32 @!p1 $0x0  }
0x14: {  	s2 =	sld [smem:$0x3F98];
	s0 =	simm.s32 @p1 $0x1  }
0x15: {  	[smem:$0x3FB5] =	sst s0;
	s0 =	simm.s32 @!p2 $0x0  }
0x16: {  	s3 =	sld [smem:$0x3FDB];
	s0 =	simm.s32 @p2 $0x1  }
0x17: {  	s4 =	simm.s32 $0x1BF5;
	[smem:$0x3FB7] =	sst s0  }
0x18: {  	s0 =	sld [smem:$0x3F9A];
	_ =	swait.ge [sflag:s4], $0x0  }
0x19: {  	s7 =	sld [smem:$0x3F9B]  }
0x1a: {  	s8 =	sadd.s32 $0xFFFFE003, lr  }
0x1b: {  	s9 =	sadd.s32 $0xFFFFFEF7, lr;
	s5 =	simm.s32 $0xFFFFFFFF;
	p2 =	slt.u32 s8, $0xFFFFF086  }
0x1c: {  	p1 =	slt.u32 s9, $0xF7A;
	s5 =	simm.s32 @!p2 $0x0  }
0x1d: {  	s5 =	simm.s32 @p1 $0x1;
	p0 =	seq.s32 s7, s2  }
0x1e: {  	s7 =	smul.u32 @!p0 $0xF7A, s2;
	p2 =	seq.s32 @!p0 s5, $0x0  }
0x1f: {  	s9 =	smul.u32 $0xF7A, s1;
	s8 =	simm.s32 @!p0 $0x1BF5;
	p2 =	por !p2, p0  }
0x20: {  	[sflag:s8] =	ssyncset.s32 @!p0 $0xFFFFF086;
	s6 =	sadd.s32 @!p0 s3, s7;
	s7 =	simm.s32 @!p0 $0x108  }
0x21: {  	s3 =	sadd.s32 s3, s9;
	s6 =	sadd.s32 @!p0 $0x88, s6;
	s7 =	simm.s32 @p2 $0x1082  }
0x22: {  	[simem:s7], [sflag:s8] =	dma.local @!p0 [hbm:s6], $0xF7A  }
0x23: {  	s9 =	sor.u32 $0xD0000000, s2;
	s6 =	simm.s32 $0x108;
	_ =	swait.ge @!p0 [sflag:s8], $0x0  }
0x24: {  	s3 =	sadd.s32 $0x88, s3;
	s6 =	simm.s32 @!p1 $0x1082;
	[sflag:s4] =	ssyncset.s32 $0xFFFFF086  }
0x25: {  	[simem:s6], [sflag:s4] =	dma.local [hbm:s3], $0xF7A  }
0x26: {  	[smem:$0x3F9B] =	sst s1;
	(tag) =	ssettag s2;
	_ =	strace s9  }
0x27: {  	s1 =	sld [smem:$0x3FAB]  }
0x28: {  	s2 =	sld [smem:$0x3FAC]  }
0x29: {  	s4 =	sld [smem:$0x3FAE]  }
0x2a: {  	p0 =	seq.s32 s5, $0x0;
	s5 =	sld [smem:$0x3FAF]  }
0x2b: {  	s6 =	sld [smem:$0x3FB0]  }
0x2c: {  	s7 =	sld [smem:$0x3FB1]  }
0x2d: {  	s3 =	simm.s32 $0x108;
	s8 =	sld [smem:$0x3FB2]  }
0x2e: {  	s3 =	simm.s32 @!p0 $0x1082;
	s9 =	sld [smem:$0x3FB3]  }
0x2f: {  	lr =	sadd.s32 s0, s3;
	s0 =	sld [smem:$0x3FAA]  }
0x30: {  	s3 =	sld [smem:$0x3FAD]  }
0x31: {  	[smem:$0x3FB6] =	sst s10  }
0x32: {  	s10 =	sld [smem:$0x3FB4];
	_ =	sdelay $0x3  }
0x33: {  	p0 =	seq.s32 s10, $0x1;
	s10 =	sld [smem:$0x3FB6];
	_ =	sdelay $0x3  }
0x34: {  	[smem:$0x3FB6] =	sst s10  }
0x35: {  	s10 =	sld [smem:$0x3FB5];
	_ =	sdelay $0x3  }
0x36: {  	p1 =	seq.s32 s10, $0x1;
	s10 =	sld [smem:$0x3FB6];
	_ =	sdelay $0x3  }
0x37: {  	[smem:$0x3FB6] =	sst s10  }
0x38: {  	s10 =	sld [smem:$0x3FB7]  }
0x39: {  	_ = 	snop;
	(pc) =	sbr.ind lr, $3  }
0x3a: {  	_ = 	snop  }
0x3b: {  	_ = 	snop  }
0x3c: {  	p2 =	seq.s32 s10, $0x1;
	s10 =	sld [smem:$0x3FB6]  }
0x3d: {  	_ =	shalt  }
0x3e: {  	_ =	shalt  }
0x3f: {  	_ =	shalt  }
0x40: {  	_ =	shalt  }
0x41: {  	_ =	shalt  }
0x42: {  	_ =	shalt  }
0x43: {  	_ =	shalt  }
0x44: {  	_ =	shalt  }
0x45: {  	_ =	shalt  }
0x46: {  	_ =	shalt  }
0x47: {  	_ =	shalt  }
0x48: {  	_ =	shalt  }
0x49: {  	_ =	shalt  }
0x4a: {  	_ =	shalt  }
0x4b: {  	_ =	shalt  }
0x4c: {  	_ =	shalt  }
0x4d: {  	_ =	shalt  }
0x4e: {  	_ =	shalt  }
0x4f: {  	_ =	shalt  }
0x50: {  	_ =	shalt  }
0x51: {  	_ =	shalt  }
0x52: {  	_ =	shalt  }
0x53: {  	_ =	shalt  }
0x54: {  	_ =	shalt  }
0x55: {  	_ =	shalt  }
0x56: {  	_ =	shalt  }
0x57: {  	_ =	shalt  }
0x58: {  	_ =	shalt  }
0x59: {  	_ =	shalt  }
0x5a: {  	_ =	shalt  }
0x5b: {  	_ =	shalt  }
0x5c: {  	_ =	shalt  }
0x5d: {  	_ =	shalt  }
0x5e: {  	_ =	shalt  }
0x5f: {  	_ =	shalt  }
0x60: {  	_ =	shalt  }
0x61: {  	_ =	shalt  }
0x62: {  	_ =	shalt  }
0x63: {  	_ =	shalt  }
0x64: {  	_ =	shalt  }
0x65: {  	_ =	shalt  }
0x66: {  	_ =	shalt  }
0x67: {  	_ =	shalt  }
0x68: {  	_ =	shalt  }
0x69: {  	_ =	shalt  }
0x6a: {  	_ =	shalt  }
0x6b: {  	_ =	shalt  }
0x6c: {  	_ =	shalt  }
0x6d: {  	_ =	shalt  }
0x6e: {  	_ =	shalt  }
0x6f: {  	_ =	shalt  }
0x70: {  	_ =	shalt  }
0x71: {  	_ =	shalt  }
0x72: {  	_ =	shalt  }
0x73: {  	_ =	shalt  }
0x74: {  	_ =	shalt  }
0x75: {  	_ =	shalt  }
0x76: {  	_ =	shalt  }
0x77: {  	_ =	shalt  }
0x78: {  	_ =	shalt  }
0x79: {  	_ =	shalt  }
0x7a: {  	_ =	shalt  }
0x7b: {  	_ =	shalt  }
0x7c: {  	_ =	shalt  }
0x7d: {  	_ =	shalt  }
0x7e: {  	_ =	shalt  }
0x7f: {  	_ =	shalt  }
0x80: {  	_ =	shalt  }
0x81: {  	_ =	shalt  }
0x82: {  	_ =	shalt  }
0x83: {  	_ =	shalt  }
0x84: {  	_ =	shalt  }
0x85: {  	_ =	shalt  }
0x86: {  	_ =	shalt  }
0x87: {  	_ =	shalt  }
.Lfunc_end0:
.L_simem_size_0:
called_computation_lowered:
.L_overlay_start_0:
0x88: {  	s2 =	sld [smem:$0x3FD9]  }
0x89: {  	s3 =	sld [smem:$0x3FFE];
	_ =	sdelay $0x1  }
0x8a: {  	s1 =	srdreg.scid  }
0x8b: {  	s0 =	sand.u32 $0x1, s1  }
0x8c: {  	s17 =	sshll.u32 s0, $0xA;
	s2 =	sadd.s32 s3, s2  }
0x8d: {  	s2 =	sadd.s32 s2, s17  }
0x8e: {  	[smem:$0x3FC2] =	sst s2  }
0x8f: {  	_ = 	snop  }
0x90: {  	s2 =	sld [smem:$0x3FD0];
	(tm) =	ssettm $0x1  }
0x91: {  	s18 =	sld [smem:$0x3FFB];
	_ =	sdelay $0x3  }
0x92: {  	_ =	strace s18  }
0x93: {  	s3 =	sld [smem:$0x3FFC];
	_ =	sdelay $0x3  }
0x94: {  	_ =	strace s3  }
0x95: {  	s3 =	sld [smem:$0x3FFD];
	_ =	sdelay $0x3  }
0x96: {  	_ =	strace s3  }
0x97: {  	_ =	strace $0x8FFFFFFF  }
0x98: {  	s19 =	sld [smem:$0x3FDB];
	_ =	sdelay $0x1  }
0x99: {  	s4 =	simm.s32 $_scs_section_size  }
0x9a: {  	s5 =	simm.s32 $_size__tile_overlayer_lowered;
	s6 =	simm.s32 $_tile_overlayer_lowered  }
0x9b: {  	s22 =	simm.s32 $0x1BFF;
	s21 =	sshll.u32 s6, $0x1;
	s3 =	sadd.s32 s4, s19  }
0x9c: {  	s7 =	simm.s32 $0x0;
	s20 =	sshll.u32 s5, $0x1;
	s5 =	sadd.s32 s21, s3  }
0x9d: {  	[timem:s7], [sflag:s22] =	dma.local [hbm:s5], s20  }
0x9e: {  	_ =	swait.ge [sflag:s22], s20  }
0x9f: {  	s4 =	ssub.s32 $0x0, s20;
	[sflag:s22] =	ssyncset.done $0x0  }
0xa0: {  	[sflag:s22] =	ssyncadd.s32 s4;
	_ =	sdelay $0x1  }
0xa1: {  	s23 =	simm.s32 $0x1B8B  }
0xa2: {  	_ =	swait.ge [sflag:s23], $0x1  }
0xa3: {  	[sflag:s23] =	ssyncset.done $0x0  }
0xa4: {  	s25 =	simm.s32 $0x1B8E;
	s24 =	sld [smem:$0x3FFE];
	[sflag:s23] =	ssyncadd.s32 $0xFFFFFFFF  }
0xa5: {  	s26 =	simm.s32 $execute0_lowered;
	[smem:$0x3FD2] =	sst s25  }
0xa6: {  	s5 =	sshll.u32 s26, $0x1;
	_ =	strace $0x80000046;
	[dreg:$0x1] =	wrdreg $0xFFFFFFFF  }
0xa7: {  	s28 =	simm.s32 $_size_execute0_lowered;
	s3 =	sadd.s32 s3, s5;
	[dreg:$0x0] =	wrdreg $0x0  }
0xa8: {  	s5 =	sshll.u32 s28, $0x1;
	[dreg:$0x2] =	wrdreg s3  }
0xa9: {  	[dreg:$0x3] =	wrdreg s5  }
0xaa: {  	[dreg:$0x4] =	wrdreg $0xC0  }
0xab: {  	_ =	task [dreg:s7], $0x5FFFF  }
0xac: {  	[dreg:$0x1] =	wrdreg $0xFFFFFFFF  }
0xad: {  	[dreg:$0x0] =	wrdreg $0x60  }
0xae: {  	[dreg:$0x2] =	wrdreg s24  }
0xaf: {  	[dreg:$0x3] =	wrdreg s2  }
0xb0: {  	[dreg:$0x4] =	wrdreg $0x9  }
0xb1: {  	_ =	task.clear_ibuf [dreg:s7], $0x5FFFF;
	_ =	strace $0x90000046  }
0xb2: {  	s29 =	simm.s32 $0x9;
	_ =	strace $0x80000048  }
0xb3: {  	_ =	swait.ge [sflag:s29], $0x1  }
0xb4: {  	[sflag:s29] =	ssyncadd.s32 $0xFFFFFFFF  }
0xb5: {  	_ =	strace $0x90000048  }
0xb6: {  	_ =	sfence  }
0xb7: {  	s30 =	sld [smem:$0x0];
	_ =	sdelay $0x2  }
0xb8: {  	s31 =	sshll.u32 s1, $0xD;
	s1 =	sshrl.u32 s1, $0x2  }
0xb9: {  	s3 =	sand.u32 $0x4000, s31;
	s1 =	sadd.s32 s1, s30  }
0xba: {  	s0 =	sor.u32 s3, s0;
	s1 =	sshll.u32 s1, $0x11  }
0xbb: {  	s0 =	sor.u32 s1, s0  }
0xbc: {  	s0 =	sadd.s32 $0x8F2B, s0  }
0xbd: {  	[sflag:s0] =	ssyncadd.remote.s32 $0x1  }
0xbe: {  	_ =	sfence.sel $0xFFFF  }
0xbf: {  	[dreg:$0x0] =	wrdreg $0xFFFFFFFF;
	(pc) =	sbr.abs _section_cstart, $3  }
0xc0: {  	[dreg:$0x1] =	wrdreg $0xFFFFFFFF  }
0xc1: {  	_ =	task.clear_ibuf [dreg:s7], $0x2FFFF;
	_ =	strace $0x9FFFFFFF  }
0xc2: {  	(tm) =	ssettm $0x7FFFFFFF  }
0xc3: {  	_ =	shalt  }
tec
execute0_lowered:
.L_overlay_start_1:
0x0: {  	(tag) =	ssettag $0x1  }
0x1: {  	s5 =	rddreg [dreg:$0x0]  }
0x2: {  	s6 =	rddreg [dreg:$0x1]  }
0x3: {  	s0 =	rddreg [dreg:$0x2]  }
0x4: {  	s3 =	srdreg.scid;
	s1 =	stileid.u32  }
0x5: {  	s2 =	simm.s32 $0x0;
	s11 =	simm.s32 $0x9;
	s12 =	simm.s32 $0x0  }
0x6: {  	s3 =	sand.u32 $0x1, s3;
	s4 =	sshll.u32 s1, $0x1;
	[smem:$0x7FF] =	sst s2  }
.Ltmp0:
0x7: {  	s7 =	sor.u32 s3, s4;
	_ =	strace $0x80000047;
	(pc) =	sbr.rel .LBB2_1-.Ltmp0, $4  }
0x8: {  	s8 =	ssub.s32 $0x2, s3;
	s3 =	sadd.s32 $0xB600, s5;
	s9 =	smul.u32 $0x30D4, s7  }
0x9: {  	s4 =	sadd.s32 $0x19E00, s5;
	s5 =	sadd.s32 $0x1000, s5;
	s10 =	sshrl.u32 s8, $0x1  }
0xa: {  	v1 =	vimm.f32 $0.0e+00;
	s8 =	ssub.s32 s8, s10;
	s10 =	simm.s32 $0x1B6E0;
	s6 =	sadd.s32 s6, s9  }
0xb: {  	v2 =	vimm.s32 $0x0;
	vm0 =	vmmov $0xffff;
	v0 =	vmov s7;
	s7 =	smax.u32 s8, $0x1;
	s8 =	simm.s32 $0x186A0;
	s9 =	simm.s32 $0x196A0  }
.LBB2_19:
0xc: {  	s12 =	sadd.s32 $0x1, s12  }
0xd: {  	p0 =	sne.s32 s12, s7  }
.Ltmp1:
0xe: {  	_ = 	snop;
	(pc) =	sbr.rel @!p0 .LBB2_20-.Ltmp1, $4  }
0xf: {  	[hbm4b:s6+s2] =	stream.linear.scatter [tilespmem:s2], [sflag:$0x9], $0x186A0, $0x38;
	[tilespmem:$0x1CAE0] =	vst v63  }
0x10: {  	_ =	swait.ge [sflag:s11], $0x186A0  }
0x11: {  	[sflag:s11] =	ssyncset.done $0x0  }
0x12: {  	[sflag:s11] =	ssyncadd.s32 $0xFFFE7960  }
.LBB2_1:
0x13: {  	s13 =	simm.s32 $0x0  }
.LBB2_2:
0x14: {  	p0 =	sne.s32 s13, $0x61A40  }
.Ltmp2:
0x15: {  	_ = 	snop;
	(pc) =	sbr.rel @p0 .LBB2_2-.Ltmp2, $3  }
0x16: {  	_ =	sdelay $0x1  }
0x17: {  	s14 =	sshra.s32 s13, $0x2  }
0x18: {  	s13 =	sadd.s32 $0x40, s13;
	[tilespmem:s14+$0x0] =	vst v1  }
0x19: {  	s13 =	simm.s32 $0x40;
	s14 =	simm.s32 $0x0  }
.LBB2_4:
0x1a: {  	p0 =	sne.s32 s13, $0x2040;
	[tilespmem:s14+$0x1A6A0] =	vst v2;
	s14 =	smov.u32 s13;
	s13 =	sadd.s32 $0x40, s13  }
.Ltmp3:
0x1b: {  	(pc) =	sbr.rel @p0 .LBB2_4-.Ltmp3, $2  }
0x1c: {  	_ =	sdelay $0x2  }
0x1d: {  	s14 =	sshra.s32 s14, $0x2  }
.Ltmp4:
0x1e: {  	(pc) =	sbr.rel .LBB2_7-.Ltmp4, $4  }
0x1f: {  	[tilespmem:s14+$0x1A6A0] =	vst v2;
	s13 =	simm.s32 $0x0  }
0x20: {  	[tilespmem:s8], [sflag:$0x1] =	stream.linear.gather [hbm4b:s3+s13], $0x800, $0x38;
	[tilespmem:$0x1CAE0] =	vst v63  }
0x21: {  	p0 =	por $0x0, $0x0;
	s14 =	simm.s32 $0x0  }
0x22: {  	[tilespmem:s9], [sflag:$0x3] =	stream.linear.gather [hbm4b:s4+s13], $0x800, $0x38;
	[tilespmem:$0x1CAE0] =	vst v63  }
.LBB2_6:
0x23: {  	p1 =	seq.s32 s14, $0xE7  }
.Ltmp5:
0x24: {  	_ = 	snop;
	(pc) =	sbr.rel @p1 .LBB2_19-.Ltmp5, $2  }
0x25: {  	_ =	sdelay $0x2  }
0x26: {  	p0 =	por !p0, !p0  }
.LBB2_7:
0x27: {  	s15 =	sand.u32 $0x1, s14;
	p1 =	seq.s32 s14, $0xE6  }
0x28: {  	s17 =	simm.s32 $0x1;
	s14 =	sadd.s32 $0x1, s14;
	s16 =	sxor.u32 @!p1 $0x1, s15  }
0x29: {  	s17 =	simm.s32 @!p0 $0x0;
	s20 =	sshll.u32 @!p1 s14, $0x8;
	s23 =	simm.s32 @!p1 $0x0  }
0x2a: {  	s18 =	sshll.u32 @!p1 s16, $0xB;
	s21 =	sadd.s32 @!p1 $0x1, s16;
	s22 =	sadd.s32 @!p1 s3, s20  }
0x2b: {  	s16 =	sadd.s32 @!p1 $0x3, s16;
	s19 =	sor.u32 @!p1 $0x186A0, s18;
	s18 =	sor.u32 @!p1 $0x196A0, s18  }
0x2c: {  	[tilespmem:s19], [sflag:s21] =	stream.linear.gather @!p1 [hbm4b:s22+s23], $0x800, $0x38;
	[tilespmem:$0x1CAE0] =	vst v63  }
0x2d: {  	s19 =	sadd.s32 @!p1 s4, s20;
	s20 =	sshll.u32 s17, $0xB;
	s21 =	sadd.s32 $0x1, s15  }
0x2e: {  	[tilespmem:s18], [sflag:s16] =	stream.linear.gather @!p1 [hbm4b:s19+s23], $0x800, $0x38;
	[tilespmem:$0x1CAE0] =	vst v63  }
0x2f: {  	s22 =	sor.u32 $0x186E0, s20;
	_ =	swait.ge [sflag:s21], $0x800  }
0x30: {  	v4 =	vmov s22;
	[sflag:s21] =	ssyncset.done $0x0  }
0x31: {  	s15 =	sadd.s32 $0x3, s15;
	[sflag:s21] =	ssyncadd.s32 $0xFFFFF800  }
0x32: {  	_ =	swait.ge [sflag:s15], $0x800  }
0x33: {  	[sflag:s15] =	ssyncset.done $0x0  }
0x34: {  	s23 =	simm.s32 $0x0;
	[sflag:s15] =	ssyncadd.s32 $0xFFFFF800  }
0x35: {  	v5 =	vld.idx.msk [tilespmem:v4+s23+$0xFFFFFFC0 ss:$0x1], $0xffff;
	_ =	sdelay $0x1  }
0x36: {  	s16 =	sor.u32 $0x19710, s20  }
0x37: {  	v3 =	vmov s16;
	_ =	sdelay $0x1  }
0x38: {  	v6 =	vshra.s32 v5, $0x18  }
0x39: {  	vm1 =	veq.s32 v6, v0  }
0x3a: {  	[tilespmem:s13+$0x1A6A0] =	vst.msk vm1, v5;
	v5 =	vmpcnt.ones.xlane vm1  }
0x3b: {  	v6 =	vld.idx.msk [tilespmem:v3+s23+$0xFFFFFF90 ss:$0x1], $0xffff  }
0x3c: {  	(v2sf) =	vpush v5, $0x0;
	_ =	sdelay $0x3  }
0x3d: {  	[tilespmem:s13+$0x1AEC0] =	vst.msk vm1, v6  }
0x3e: {  	v5 =	vld.idx.msk [tilespmem:v4+s23+$0xFFFFFFD0 ss:$0x1], $0xffff;
	_ =	sdelay $0x4  }
0x3f: {  	v6 =	vshra.s32 v5, $0x18  }
0x40: {  	vm1 =	veq.s32 v6, v0  }
0x41: {  	v6 =	vmpcnt.ones.xlane vm1;
	_ =	sdelay $0x1  }
0x42: {  	(v2sf) =	vpush v6, $0x0  }
0x43: {  	s24 =	spop (v2sf)  }
0x44: {  	s16 =	sadd.s32 $0x0, s24  }
0x45: {  	[tilespmem:s16+$0x1A6A0] =	vst.msk vm1, v5  }
0x46: {  	v5 =	vld.idx.msk [tilespmem:v3+s23+$0xFFFFFFA0 ss:$0x1], $0xffff;
	_ =	sdelay $0x4  }
0x47: {  	[tilespmem:s16+$0x1AEC0] =	vst.msk vm1, v5  }
0x48: {  	v5 =	vld.idx.msk [tilespmem:v4+s23+$0xFFFFFFE0 ss:$0x1], $0xffff;
	_ =	sdelay $0x4  }
0x49: {  	v6 =	vshra.s32 v5, $0x18;
	s25 =	spop (v2sf)  }
0x4a: {  	s16 =	sadd.s32 s16, s25;
	vm1 =	veq.s32 v6, v0  }
0x4b: {  	[tilespmem:s16+$0x1A6A0] =	vst.msk vm1, v5;
	v5 =	vmpcnt.ones.xlane vm1  }
0x4c: {  	v6 =	vld.idx.msk [tilespmem:v3+s23+$0xFFFFFFB0 ss:$0x1], $0xffff  }
0x4d: {  	(v2sf) =	vpush v5, $0x0;
	_ =	sdelay $0x3  }
0x4e: {  	[tilespmem:s16+$0x1AEC0] =	vst.msk vm1, v6  }
0x4f: {  	v5 =	vld.idx.msk [tilespmem:v4+s23+$0xFFFFFFF0 ss:$0x1], $0xffff;
	_ =	sdelay $0x4  }
0x50: {  	v6 =	vshra.s32 v5, $0x18  }
0x51: {  	vm1 =	veq.s32 v6, v0  }
0x52: {  	v6 =	vmpcnt.ones.xlane vm1;
	_ =	sdelay $0x1  }
0x53: {  	(v2sf) =	vpush v6, $0x0  }
0x54: {  	s26 =	spop (v2sf)  }
0x55: {  	s16 =	sadd.s32 s16, s26  }
0x56: {  	[tilespmem:s16+$0x1A6A0] =	vst.msk vm1, v5  }
0x57: {  	v5 =	vld.idx.msk [tilespmem:v3+s23+$0xFFFFFFC0 ss:$0x1], $0xffff;
	_ =	sdelay $0x4  }
0x58: {  	[tilespmem:s16+$0x1AEC0] =	vst.msk vm1, v5  }
0x59: {  	v5 =	vld.idx.msk [tilespmem:v4+s23+$0x0 ss:$0x1], $0xffff;
	_ =	sdelay $0x4  }
0x5a: {  	v6 =	vshra.s32 v5, $0x18;
	s28 =	spop (v2sf)  }
0x5b: {  	s16 =	sadd.s32 s16, s28;
	vm1 =	veq.s32 v6, v0  }
0x5c: {  	[tilespmem:s16+$0x1A6A0] =	vst.msk vm1, v5;
	v5 =	vmpcnt.ones.xlane vm1  }
0x5d: {  	v6 =	vld.idx.msk [tilespmem:v3+s23+$0xFFFFFFD0 ss:$0x1], $0xffff  }
0x5e: {  	(v2sf) =	vpush v5, $0x0;
	_ =	sdelay $0x3  }
0x5f: {  	[tilespmem:s16+$0x1AEC0] =	vst.msk vm1, v6  }
0x60: {  	v5 =	vld.idx.msk [tilespmem:v4+s23+$0x10 ss:$0x1], $0xffff;
	_ =	sdelay $0x4  }
0x61: {  	v6 =	vshra.s32 v5, $0x18  }
0x62: {  	vm1 =	veq.s32 v6, v0  }
0x63: {  	v6 =	vmpcnt.ones.xlane vm1;
	_ =	sdelay $0x1  }
0x64: {  	(v2sf) =	vpush v6, $0x0  }
0x65: {  	s29 =	spop (v2sf)  }
0x66: {  	s16 =	sadd.s32 s16, s29  }
0x67: {  	[tilespmem:s16+$0x1A6A0] =	vst.msk vm1, v5  }
0x68: {  	v5 =	vld.idx.msk [tilespmem:v3+s23+$0xFFFFFFE0 ss:$0x1], $0xffff;
	_ =	sdelay $0x4  }
0x69: {  	[tilespmem:s16+$0x1AEC0] =	vst.msk vm1, v5  }
0x6a: {  	v5 =	vld.idx.msk [tilespmem:v4+s23+$0x20 ss:$0x1], $0xffff;
	_ =	sdelay $0x4  }
0x6b: {  	v6 =	vshra.s32 v5, $0x18;
	s30 =	spop (v2sf)  }
0x6c: {  	s16 =	sadd.s32 s16, s30;
	vm1 =	veq.s32 v6, v0  }
0x6d: {  	[tilespmem:s16+$0x1A6A0] =	vst.msk vm1, v5;
	v5 =	vmpcnt.ones.xlane vm1  }
0x6e: {  	v6 =	vld.idx.msk [tilespmem:v3+s23+$0xFFFFFFF0 ss:$0x1], $0xffff  }
0x6f: {  	(v2sf) =	vpush v5, $0x0;
	_ =	sdelay $0x3  }
0x70: {  	[tilespmem:s16+$0x1AEC0] =	vst.msk vm1, v6  }
0x71: {  	v5 =	vld.idx.msk [tilespmem:v4+s23+$0x30 ss:$0x1], $0xffff;
	_ =	sdelay $0x4  }
0x72: {  	v6 =	vshra.s32 v5, $0x18  }
0x73: {  	vm1 =	veq.s32 v6, v0  }
0x74: {  	v6 =	vmpcnt.ones.xlane vm1;
	_ =	sdelay $0x1  }
0x75: {  	(v2sf) =	vpush v6, $0x0  }
0x76: {  	s31 =	spop (v2sf)  }
0x77: {  	s18 =	sadd.s32 s16, s31  }
0x78: {  	[tilespmem:s18+$0x1A6A0] =	vst.msk vm1, v5  }
0x79: {  	v5 =	vld.idx.msk [tilespmem:v3+s23+$0x0 ss:$0x1], $0xffff;
	_ =	sdelay $0x4  }
0x7a: {  	s15 =	simm.s32 $0x80;
	[tilespmem:s18+$0x1AEC0] =	vst.msk vm1, v5  }
0x7b: {  	v5 =	vld.idx.msk [tilespmem:v4+s15+$0xFFFFFFC0 ss:$0x1], $0xffff;
	_ =	sdelay $0x4  }
0x7c: {  	s16 =	simm.s32 $0x400;
	v6 =	vshra.s32 v5, $0x18;
	s17 =	spop (v2sf)  }
.LBB2_8:
0x7d: {  	p1 =	sne.s32 s16, $0x1E00  }
0x7e: {  	vm1 =	veq.s32 v6, v0;
	s18 =	sadd.s32 s18, s17;
	s17 =	smov.u32 s16;
	s16 =	sadd.s32 $0x200, s16  }
0x7f: {  	[tilespmem:s18+$0x1A6A0] =	vst.msk vm1, v5;
	v5 =	vmpcnt.ones.xlane vm1  }
0x80: {  	v6 =	vld.idx.msk [tilespmem:v3+s15+$0xFFFFFF90 ss:$0x1], $0xffff  }
0x81: {  	(v2sf) =	vpush v5, $0x0;
	_ =	sdelay $0x4  }
0x82: {  	[tilespmem:s18+$0x1AEC0] =	vst.msk vm1, v6  }
0x83: {  	v5 =	vld.idx.msk [tilespmem:v4+s15+$0xFFFFFFD0 ss:$0x1], $0xffff;
	_ =	sdelay $0x5  }
0x84: {  	v6 =	vshra.s32 v5, $0x18  }
0x85: {  	vm1 =	veq.s32 v6, v0  }
0x86: {  	v6 =	vmpcnt.ones.xlane vm1  }
0x87: {  	s19 =	spop (v2sf)  }
0x88: {  	s18 =	sadd.s32 s18, s19;
	(v2sf) =	vpush v6, $0x0  }
0x89: {  	[tilespmem:s18+$0x1A6A0] =	vst.msk vm1, v5  }
0x8a: {  	v5 =	vld.idx.msk [tilespmem:v3+s15+$0xFFFFFFA0 ss:$0x1], $0xffff;
	_ =	sdelay $0x5  }
0x8b: {  	[tilespmem:s18+$0x1AEC0] =	vst.msk vm1, v5  }
0x8c: {  	v5 =	vld.idx.msk [tilespmem:v4+s15+$0xFFFFFFE0 ss:$0x1], $0xffff;
	_ =	sdelay $0x5  }
0x8d: {  	v6 =	vshra.s32 v5, $0x18;
	s19 =	spop (v2sf)  }
0x8e: {  	vm1 =	veq.s32 v6, v0;
	s18 =	sadd.s32 s18, s19  }
0x8f: {  	[tilespmem:s18+$0x1A6A0] =	vst.msk vm1, v5;
	v5 =	vmpcnt.ones.xlane vm1  }
0x90: {  	v6 =	vld.idx.msk [tilespmem:v3+s15+$0xFFFFFFB0 ss:$0x1], $0xffff  }
0x91: {  	(v2sf) =	vpush v5, $0x0;
	_ =	sdelay $0x4  }
0x92: {  	[tilespmem:s18+$0x1AEC0] =	vst.msk vm1, v6  }
0x93: {  	v5 =	vld.idx.msk [tilespmem:v4+s15+$0xFFFFFFF0 ss:$0x1], $0xffff;
	_ =	sdelay $0x5  }
0x94: {  	v6 =	vshra.s32 v5, $0x18  }
0x95: {  	vm1 =	veq.s32 v6, v0  }
0x96: {  	v6 =	vmpcnt.ones.xlane vm1  }
0x97: {  	s19 =	spop (v2sf)  }
0x98: {  	s18 =	sadd.s32 s18, s19;
	(v2sf) =	vpush v6, $0x0  }
0x99: {  	[tilespmem:s18+$0x1A6A0] =	vst.msk vm1, v5  }
0x9a: {  	v5 =	vld.idx.msk [tilespmem:v3+s15+$0xFFFFFFC0 ss:$0x1], $0xffff;
	_ =	sdelay $0x5  }
0x9b: {  	[tilespmem:s18+$0x1AEC0] =	vst.msk vm1, v5  }
0x9c: {  	v5 =	vld.idx.msk [tilespmem:v4+s15+$0x0 ss:$0x1], $0xffff;
	_ =	sdelay $0x5  }
0x9d: {  	v6 =	vshra.s32 v5, $0x18;
	s19 =	spop (v2sf)  }
0x9e: {  	vm1 =	veq.s32 v6, v0;
	s18 =	sadd.s32 s18, s19  }
0x9f: {  	[tilespmem:s18+$0x1A6A0] =	vst.msk vm1, v5;
	v5 =	vmpcnt.ones.xlane vm1  }
0xa0: {  	v6 =	vld.idx.msk [tilespmem:v3+s15+$0xFFFFFFD0 ss:$0x1], $0xffff  }
0xa1: {  	(v2sf) =	vpush v5, $0x0;
	_ =	sdelay $0x4  }
0xa2: {  	[tilespmem:s18+$0x1AEC0] =	vst.msk vm1, v6  }
0xa3: {  	v5 =	vld.idx.msk [tilespmem:v4+s15+$0x10 ss:$0x1], $0xffff;
	_ =	sdelay $0x5  }
0xa4: {  	v6 =	vshra.s32 v5, $0x18  }
0xa5: {  	vm1 =	veq.s32 v6, v0  }
0xa6: {  	v6 =	vmpcnt.ones.xlane vm1  }
0xa7: {  	s19 =	spop (v2sf)  }
0xa8: {  	s18 =	sadd.s32 s18, s19;
	(v2sf) =	vpush v6, $0x0  }
0xa9: {  	[tilespmem:s18+$0x1A6A0] =	vst.msk vm1, v5  }
0xaa: {  	v5 =	vld.idx.msk [tilespmem:v3+s15+$0xFFFFFFE0 ss:$0x1], $0xffff;
	_ =	sdelay $0x5  }
0xab: {  	[tilespmem:s18+$0x1AEC0] =	vst.msk vm1, v5  }
0xac: {  	v5 =	vld.idx.msk [tilespmem:v4+s15+$0x20 ss:$0x1], $0xffff;
	_ =	sdelay $0x5  }
0xad: {  	v6 =	vshra.s32 v5, $0x18;
	s19 =	spop (v2sf)  }
0xae: {  	vm1 =	veq.s32 v6, v0;
	s18 =	sadd.s32 s18, s19  }
0xaf: {  	[tilespmem:s18+$0x1A6A0] =	vst.msk vm1, v5;
	v5 =	vmpcnt.ones.xlane vm1  }
0xb0: {  	v6 =	vld.idx.msk [tilespmem:v3+s15+$0xFFFFFFF0 ss:$0x1], $0xffff  }
0xb1: {  	(v2sf) =	vpush v5, $0x0;
	_ =	sdelay $0x4  }
0xb2: {  	[tilespmem:s18+$0x1AEC0] =	vst.msk vm1, v6  }
0xb3: {  	v5 =	vld.idx.msk [tilespmem:v4+s15+$0x30 ss:$0x1], $0xffff;
	_ =	sdelay $0x5  }
0xb4: {  	v6 =	vshra.s32 v5, $0x18  }
0xb5: {  	vm1 =	veq.s32 v6, v0  }
0xb6: {  	v6 =	vmpcnt.ones.xlane vm1  }
0xb7: {  	s19 =	spop (v2sf)  }
0xb8: {  	s18 =	sadd.s32 s18, s19;
	(v2sf) =	vpush v6, $0x0  }
0xb9: {  	[tilespmem:s18+$0x1A6A0] =	vst.msk vm1, v5  }
0xba: {  	v5 =	vld.idx.msk [tilespmem:v3+s15+$0x0 ss:$0x1], $0xffff;
	_ =	sdelay $0x5  }
0xbb: {  	s15 =	sshra.s32 s17, $0x2;
	[tilespmem:s18+$0x1AEC0] =	vst.msk vm1, v5  }
0xbc: {  	v5 =	vld.idx.msk [tilespmem:v4+s15+$0xFFFFFFC0 ss:$0x1], $0xffff;
	_ =	sdelay $0x1  }
.Ltmp6:
0xbd: {  	(pc) =	sbr.rel @p1 .LBB2_8-.Ltmp6, $2  }
0xbe: {  	_ =	sdelay $0x2  }
0xbf: {  	v6 =	vshra.s32 v5, $0x18;
	s17 =	spop (v2sf)  }
0xc0: {  	_ =	sdelay $0x1  }
0xc1: {  	vm1 =	veq.s32 v6, v0;
	s16 =	sadd.s32 s18, s17  }
0xc2: {  	[tilespmem:s16+$0x1A6A0] =	vst.msk vm1, v5;
	v45 =	vmpcnt.ones.xlane vm1  }
0xc3: {  	v46 =	vld.idx.msk [tilespmem:v3+s15+$0xFFFFFF90 ss:$0x1], $0xffff  }
0xc4: {  	(v2sf) =	vpush v45, $0x0;
	_ =	sdelay $0x3  }
0xc5: {  	[tilespmem:s16+$0x1AEC0] =	vst.msk vm1, v46  }
0xc6: {  	v47 =	vld.idx.msk [tilespmem:v4+s15+$0xFFFFFFD0 ss:$0x1], $0xffff;
	_ =	sdelay $0x4  }
0xc7: {  	v48 =	vshra.s32 v47, $0x18  }
0xc8: {  	vm1 =	veq.s32 v48, v0  }
0xc9: {  	v6 =	vmpcnt.ones.xlane vm1;
	_ =	sdelay $0x1  }
0xca: {  	(v2sf) =	vpush v6, $0x0  }
0xcb: {  	s22 =	spop (v2sf)  }
0xcc: {  	s16 =	sadd.s32 s16, s22  }
0xcd: {  	[tilespmem:s16+$0x1A6A0] =	vst.msk vm1, v47  }
0xce: {  	v5 =	vld.idx.msk [tilespmem:v3+s15+$0xFFFFFFA0 ss:$0x1], $0xffff;
	_ =	sdelay $0x4  }
0xcf: {  	[tilespmem:s16+$0x1AEC0] =	vst.msk vm1, v5  }
0xd0: {  	v5 =	vld.idx.msk [tilespmem:v4+s15+$0xFFFFFFE0 ss:$0x1], $0xffff;
	_ =	sdelay $0x4  }
0xd1: {  	v49 =	vshra.s32 v5, $0x18;
	s23 =	spop (v2sf)  }
0xd2: {  	s16 =	sadd.s32 s16, s23;
	vm1 =	veq.s32 v49, v0  }
0xd3: {  	[tilespmem:s16+$0x1A6A0] =	vst.msk vm1, v5;
	v50 =	vmpcnt.ones.xlane vm1  }
0xd4: {  	v51 =	vld.idx.msk [tilespmem:v3+s15+$0xFFFFFFB0 ss:$0x1], $0xffff  }
0xd5: {  	(v2sf) =	vpush v50, $0x0;
	_ =	sdelay $0x3  }
0xd6: {  	[tilespmem:s16+$0x1AEC0] =	vst.msk vm1, v51  }
0xd7: {  	v52 =	vld.idx.msk [tilespmem:v4+s15+$0xFFFFFFF0 ss:$0x1], $0xffff;
	_ =	sdelay $0x4  }
0xd8: {  	v53 =	vshra.s32 v52, $0x18  }
0xd9: {  	vm1 =	veq.s32 v53, v0  }
0xda: {  	v6 =	vmpcnt.ones.xlane vm1;
	_ =	sdelay $0x1  }
0xdb: {  	(v2sf) =	vpush v6, $0x0  }
0xdc: {  	s24 =	spop (v2sf)  }
0xdd: {  	s16 =	sadd.s32 s16, s24  }
0xde: {  	[tilespmem:s16+$0x1A6A0] =	vst.msk vm1, v52  }
0xdf: {  	v5 =	vld.idx.msk [tilespmem:v3+s15+$0xFFFFFFC0 ss:$0x1], $0xffff;
	_ =	sdelay $0x4  }
0xe0: {  	[tilespmem:s16+$0x1AEC0] =	vst.msk vm1, v5  }
0xe1: {  	v5 =	vld.idx.msk [tilespmem:v4+s15+$0x0 ss:$0x1], $0xffff;
	_ =	sdelay $0x4  }
0xe2: {  	v54 =	vshra.s32 v5, $0x18;
	s25 =	spop (v2sf)  }
0xe3: {  	s16 =	sadd.s32 s16, s25;
	vm1 =	veq.s32 v54, v0  }
0xe4: {  	[tilespmem:s16+$0x1A6A0] =	vst.msk vm1, v5;
	v55 =	vmpcnt.ones.xlane vm1  }
0xe5: {  	v56 =	vld.idx.msk [tilespmem:v3+s15+$0xFFFFFFD0 ss:$0x1], $0xffff  }
0xe6: {  	(v2sf) =	vpush v55, $0x0;
	_ =	sdelay $0x3  }
0xe7: {  	[tilespmem:s16+$0x1AEC0] =	vst.msk vm1, v56  }
0xe8: {  	v57 =	vld.idx.msk [tilespmem:v4+s15+$0x10 ss:$0x1], $0xffff;
	_ =	sdelay $0x4  }
0xe9: {  	v58 =	vshra.s32 v57, $0x18  }
0xea: {  	vm1 =	veq.s32 v58, v0  }
0xeb: {  	v6 =	vmpcnt.ones.xlane vm1;
	_ =	sdelay $0x1  }
0xec: {  	(v2sf) =	vpush v6, $0x0  }
0xed: {  	s26 =	spop (v2sf)  }
0xee: {  	s16 =	sadd.s32 s16, s26  }
0xef: {  	[tilespmem:s16+$0x1A6A0] =	vst.msk vm1, v57  }
0xf0: {  	v5 =	vld.idx.msk [tilespmem:v3+s15+$0xFFFFFFE0 ss:$0x1], $0xffff;
	_ =	sdelay $0x4  }
0xf1: {  	[tilespmem:s16+$0x1AEC0] =	vst.msk vm1, v5  }
0xf2: {  	v5 =	vld.idx.msk [tilespmem:v4+s15+$0x20 ss:$0x1], $0xffff;
	_ =	sdelay $0x4  }
0xf3: {  	v59 =	vshra.s32 v5, $0x18;
	s28 =	spop (v2sf)  }
0xf4: {  	s16 =	sadd.s32 s16, s28;
	vm1 =	veq.s32 v59, v0  }
0xf5: {  	[tilespmem:s16+$0x1A6A0] =	vst.msk vm1, v5  }
0xf6: {  	v5 =	vld.idx.msk [tilespmem:v3+s15+$0xFFFFFFF0 ss:$0x1], $0xffff;
	_ =	sdelay $0x4  }
0xf7: {  	[tilespmem:s16+$0x1AEC0] =	vst.msk vm1, v5  }
0xf8: {  	v60 =	vld.idx.msk [tilespmem:v4+s15+$0x30 ss:$0x1], $0xffff;
	_ =	sdelay $0x4  }
0xf9: {  	v61 =	vmpcnt.ones.xlane vm1;
	v62 =	vshra.s32 v60, $0x18  }
0xfa: {  	vm1 =	veq.s32 v62, v0  }
0xfb: {  	(v2sf) =	vpush v61, $0x0;
	v63 =	vmpcnt.ones.xlane vm1;
	_ =	sdelay $0x1  }
0xfc: {  	(v2sf) =	vpush v63, $0x0;
	_ =	sdelay $0xc  }
0xfd: {  	s29 =	spop (v2sf)  }
0xfe: {  	s17 =	sadd.s32 s16, s29  }
0xff: {  	[tilespmem:s17+$0x1A6A0] =	vst.msk vm1, v60;
	s30 =	spop (v2sf)  }
0x100: {  	v3 =	vld.idx.msk [tilespmem:v3+s15+$0x0 ss:$0x1], $0xffff;
	s15 =	sadd.s32 s17, s30  }
0x101: {  	s31 =	sadd.s32 $0xF, s15  }
0x102: {  	s16 =	sshra.s32 s31, $0x4  }
0x103: {  	p1 =	slt.s32 s16, $0x1  }
.Ltmp7:
0x104: {  	_ = 	snop;
	(pc) =	sbr.rel @p1 .LBB2_6-.Ltmp7, $2  }
0x105: {  	_ =	sdelay $0x2  }
0x106: {  	[tilespmem:s17+$0x1AEC0] =	vst.msk vm1, v3  }
0x107: {  	v3 =	vld [tilespmem:$0x1A6A0];
	_ =	sdelay $0x4  }
0x108: {  	v3 =	vand.u32 $0x1FFF, v3;
	_ =	sdelay $0x3  }
0x109: {  	p1 =	seq.s32 s16, $0x1  }
0x10a: {  	[tilespmem:s10], [sflag:$0x5] =	stream.indirect_vreg.gather [hbm4b:s5+s2], $0x50, v3, vm0, $0xb8;
	[tilespmem:$0x1CAE0] =	vst v63  }
0x10b: {  	v3 =	vld @!p1 [tilespmem:$0x1A6B0];
	_ =	sdelay $0x4  }
0x10c: {  	v3 =	vand.u32 @!p1 $0x1FFF, v3;
	_ =	sdelay $0x2  }
0x10d: {  	p2 =	slt.u32 @!p1 s16, $0x3  }
0x10e: {  	vm1 =	vmmov @!p1 $0xffff;
	s17 =	simm.s32 @!p1 $0x0;
	s18 =	simm.s32 @!p1 $0x1BBE0;
	p3 =	por p2, p1  }
0x10f: {  	[tilespmem:s18], [sflag:$0x6] =	stream.indirect_vreg.gather @!p1 [hbm4b:s5+s17], $0x50, v3, vm1, $0xb8;
	[tilespmem:$0x1CAE0] =	vst v63  }
0x110: {  	v3 =	vld @!p3 [tilespmem:$0x1A6C0];
	_ =	sdelay $0x4  }
0x111: {  	v3 =	vand.u32 @!p3 $0x1FFF, v3;
	_ =	sdelay $0x3  }
0x112: {  	vm1 =	vmmov @!p3 $0xffff;
	s17 =	simm.s32 @!p3 $0x0;
	s18 =	simm.s32 @!p3 $0x1C0E0  }
0x113: {  	[tilespmem:s18], [sflag:$0x7] =	stream.indirect_vreg.gather @!p3 [hbm4b:s5+s17], $0x50, v3, vm1, $0xb8;
	[tilespmem:$0x1CAE0] =	vst v63  }
0x114: {  	p3 =	seq.s32 @!p3 s16, $0x3  }
0x115: {  	p2 =	por @!p1 p3, p2  }
0x116: {  	p1 =	por p2, p1  }
0x117: {  	v3 =	vld @!p1 [tilespmem:$0x1A6D0];
	_ =	sdelay $0x4  }
0x118: {  	v3 =	vand.u32 @!p1 $0x1FFF, v3;
	_ =	sdelay $0x1  }
.Ltmp8:
0x119: {  	_ = 	snop;
	(pc) =	sbr.rel .LBB2_11-.Ltmp8, $4  }
0x11a: {  	s19 =	simm.s32 $0x1AEC0  }
0x11b: {  	s20 =	smov.u32 s15;
	vm1 =	vmmov @!p1 $0xffff;
	s17 =	simm.s32 @!p1 $0x0;
	s18 =	simm.s32 @!p1 $0x1C5E0  }
0x11c: {  	[tilespmem:s18], [sflag:$0x8] =	stream.indirect_vreg.gather @!p1 [hbm4b:s5+s17], $0x50, v3, vm1, $0xb8;
	[tilespmem:$0x1CAE0] =	vst v63  }
0x11d: {  	s21 =	simm.s32 $0x0;
	s17 =	simm.s32 $0x0;
	s18 =	simm.s32 $0x1A6A0  }
.LBB2_13:
0x11e: {  	s25 =	smov.u32 s19;
	s26 =	smov.u32 s24  }
.LBB2_17:
0x11f: {  	(v2sf) =	vpush v3, $0x0;
	_ =	sdelay $0xb  }
0x120: {  	s26 =	sadd.s32 @p1 $0x50, s26  }
0x121: {  	v3 =	vld.msk [tilespmem:s25+$0x0 ss:$0x0], $0xffff;
	s24 =	smov.u32 @p1 s26  }
0x122: {  	v4 =	vld [tilespmem:s24+$0xFFFFFFE0]  }
0x123: {  	s31 =	spop (v2sf)  }
0x124: {  	s25 =	sshrl.u32 s31, $0xD  }
0x125: {  	s25 =	sand.u32 $0x7FF, s25  }
0x126: {  	s25 =	smul.u32 $0x140, s25  }
0x127: {  	v4 =	vmul.f32 v4, v3  }
0x128: {  	s25 =	sshrl.u32 s25, $0x2  }
0x129: {  	[tilespmem:s25+$0x0] =	vst.add.f32.msk $0xffff, v4  }
0x12a: {  	v4 =	vld [tilespmem:s24+$0xFFFFFFF0];
	_ =	sdelay $0x4  }
0x12b: {  	v4 =	vmul.f32 v4, v3;
	_ =	sdelay $0x1  }
0x12c: {  	[tilespmem:s25+$0x10] =	vst.add.f32.msk $0xffff, v4  }
0x12d: {  	v4 =	vld [tilespmem:s24+$0x0];
	_ =	sdelay $0x4  }
0x12e: {  	v4 =	vmul.f32 v4, v3;
	_ =	sdelay $0x1  }
0x12f: {  	[tilespmem:s25+$0x20] =	vst.add.f32.msk $0xffff, v4  }
0x130: {  	v4 =	vld [tilespmem:s24+$0x10];
	_ =	sdelay $0x4  }
0x131: {  	v4 =	vmul.f32 v4, v3;
	_ =	sdelay $0x1  }
0x132: {  	[tilespmem:s25+$0x30] =	vst.add.f32.msk $0xffff, v4  }
0x133: {  	v4 =	vld [tilespmem:s24+$0x20];
	_ =	sdelay $0x4  }
0x134: {  	v3 =	vmul.f32 v4, v3;
	_ =	sdelay $0x1  }
0x135: {  	[tilespmem:s25+$0x40] =	vst.add.f32.msk $0xffff, v3  }
.LBB2_18:
0x136: {  	s24 =	sadd.s32 $0x4, s21  }
0x137: {  	p1 =	sge.s32 s24, s16  }
0x138: {  	s24 =	sshll.u32 @!p1 s24, $0x6  }
0x139: {  	s24 =	sshra.s32 @!p1 s24, $0x2  }
0x13a: {  	v3 =	vld @!p1 [tilespmem:s24+$0x1A6A0];
	_ =	sdelay $0x4  }
0x13b: {  	v3 =	vand.u32 @!p1 $0x1FFF, v3  }
0x13c: {  	s23 =	smul.u32 @!p1 $0x1400, s23;
	_ =	sdelay $0x1  }
0x13d: {  	s23 =	sshrl.u32 @!p1 s23, $0x2  }
0x13e: {  	s21 =	sadd.s32 $0x1, s21;
	vm1 =	vmmov @!p1 $0xffff;
	s24 =	simm.s32 @!p1 $0x0;
	s23 =	sadd.s32 @!p1 $0x1B6E0, s23  }
0x13f: {  	[tilespmem:s23], [sflag:s22] =	stream.indirect_vreg.gather @!p1 [hbm4b:s5+s24], $0x50, v3, vm1, $0xb8;
	[tilespmem:$0x1CAE0] =	vst v63  }
0x140: {  	p1 =	seq.s32 s21, s16  }
.Ltmp9:
0x141: {  	_ = 	snop;
	(pc) =	sbr.rel @p1 .LBB2_6-.Ltmp9, $3  }
0x142: {  	_ =	sdelay $0x1  }
0x143: {  	s20 =	sadd.s32 $0xFFFFFFF0, s20  }
0x144: {  	s18 =	sadd.s32 $0x10, s18;
	s19 =	sadd.s32 $0x10, s19;
	s17 =	sadd.s32 $0x1, s17  }
.LBB2_11:
0x145: {  	s24 =	sshll.u32 s21, $0x4  }
0x146: {  	s24 =	ssub.s32 s15, s24  }
0x147: {  	p1 =	slt.s32 s24, $0x1  }
.Ltmp10:
0x148: {  	s23 =	sand.u32 $0x3, s21;
	(pc) =	sbr.rel @p1 .LBB2_18-.Ltmp10, $4  }
0x149: {  	s22 =	sadd.s32 $0x5, s23  }
0x14a: {  	_ =	swait.ge [sflag:s22], $0x500  }
0x14b: {  	[sflag:s22] =	ssyncset.done $0x0  }
0x14c: {  	[sflag:s22] =	ssyncadd.s32 $0xFFFFFB00  }
0x14d: {  	p1 =	sgt.s32 s20, $0x1;
	s24 =	smov.u32 s20  }
0x14e: {  	s24 =	simm.s32 @!p1 $0x1  }
0x14f: {  	s26 =	smin.u32 s24, $0x10  }
0x150: {  	p2 =	sne.s32 s26, $0x1  }
.Ltmp11:
0x151: {  	s25 =	sand.u32 $0x3, s17;
	v3 =	vld [tilespmem:s18+$0x0];
	(pc) =	sbr.rel @!p2 .LBB2_13-.Ltmp11, $3  }
0x152: {  	s25 =	smul.u32 $0x1400, s25;
	_ =	sdelay $0x1  }
0x153: {  	s31 =	sshrl.u32 s25, $0x2  }
0x154: {  	p1 =	por $0x0, $0x0;
	s25 =	sadd.s32 $0xFFFFFFFF, s26;
	s24 =	sadd.s32 $0x1B700, s31  }
0x155: {  	(v2sf) =	vpush v3, $0x0;
	_ =	sdelay $0xc  }
0x156: {  	v3 =	vld.msk [tilespmem:s19+$0x0 ss:$0x0], $0xffff  }
0x157: {  	v4 =	vld [tilespmem:s24+$0xFFFFFFE0]  }
0x158: {  	s26 =	spop (v2sf)  }
0x159: {  	s26 =	sshrl.u32 s26, $0xD  }
0x15a: {  	s26 =	sand.u32 $0x7FF, s26  }
0x15b: {  	s26 =	smul.u32 $0x140, s26  }
0x15c: {  	v4 =	vmul.f32 v4, v3  }
0x15d: {  	s26 =	sshrl.u32 s26, $0x2  }
0x15e: {  	[tilespmem:s26+$0x0] =	vst.add.f32.msk $0xffff, v4  }
0x15f: {  	v4 =	vld [tilespmem:s24+$0xFFFFFFF0];
	_ =	sdelay $0x4  }
0x160: {  	v4 =	vmul.f32 v4, v3;
	_ =	sdelay $0x1  }
0x161: {  	[tilespmem:s26+$0x10] =	vst.add.f32.msk $0xffff, v4  }
0x162: {  	v4 =	vld [tilespmem:s24+$0x0];
	_ =	sdelay $0x4  }
0x163: {  	v4 =	vmul.f32 v4, v3;
	_ =	sdelay $0x1  }
0x164: {  	[tilespmem:s26+$0x20] =	vst.add.f32.msk $0xffff, v4  }
0x165: {  	v4 =	vld [tilespmem:s24+$0x10];
	_ =	sdelay $0x4  }
0x166: {  	v4 =	vmul.f32 v4, v3;
	_ =	sdelay $0x1  }
0x167: {  	[tilespmem:s26+$0x30] =	vst.add.f32.msk $0xffff, v4  }
0x168: {  	v4 =	vld [tilespmem:s24+$0x20];
	_ =	sdelay $0x4  }
0x169: {  	v3 =	vmul.f32 v4, v3;
	_ =	sdelay $0x1  }
0x16a: {  	p2 =	sne.s32 s25, $0x1;
	s28 =	sadd.s32 $0x1, s18;
	[tilespmem:s26+$0x40] =	vst.add.f32.msk $0xffff, v3  }
.Ltmp12:
0x16b: {  	v3 =	vld [tilespmem:s28+$0x0];
	(pc) =	sbr.rel @!p2 .LBB2_15-.Ltmp12, $3  }
0x16c: {  	_ =	sdelay $0x1  }
0x16d: {  	s29 =	sadd.s32 $0xFFFFFFFF, s25  }
0x16e: {  	s25 =	sadd.s32 $0x1, s19;
	p1 =	por $0x1, $0x1;
	s26 =	smov.u32 s24  }
.LBB2_16:
0x16f: {  	p2 =	sne.s32 s29, $0x1;
	v4 =	vld.msk [tilespmem:s25+$0x0 ss:$0x0], $0xffff;
	s26 =	sadd.s32 $0x50, s26  }
0x170: {  	v5 =	vld [tilespmem:s26+$0xFFFFFFE0];
	_ =	sdelay $0x2  }
0x171: {  	(v2sf) =	vpush v3, $0x0;
	_ =	sdelay $0xe  }
0x172: {  	s30 =	spop (v2sf)  }
0x173: {  	s30 =	sshrl.u32 s30, $0xD  }
0x174: {  	s30 =	sand.u32 $0x7FF, s30  }
0x175: {  	s30 =	smul.u32 $0x140, s30  }
0x176: {  	v3 =	vmul.f32 v5, v4  }
0x177: {  	s30 =	sshrl.u32 s30, $0x2  }
0x178: {  	[tilespmem:s30+$0x0] =	vst.add.f32.msk $0xffff, v3  }
0x179: {  	v3 =	vld [tilespmem:s26+$0xFFFFFFF0];
	_ =	sdelay $0x4  }
0x17a: {  	v3 =	vmul.f32 v3, v4;
	_ =	sdelay $0x1  }
0x17b: {  	[tilespmem:s30+$0x10] =	vst.add.f32.msk $0xffff, v3  }
0x17c: {  	v3 =	vld [tilespmem:s26+$0x0];
	_ =	sdelay $0x4  }
0x17d: {  	v3 =	vmul.f32 v3, v4;
	_ =	sdelay $0x1  }
0x17e: {  	[tilespmem:s30+$0x20] =	vst.add.f32.msk $0xffff, v3  }
0x17f: {  	v3 =	vld [tilespmem:s26+$0x10];
	_ =	sdelay $0x4  }
0x180: {  	v3 =	vmul.f32 v3, v4;
	_ =	sdelay $0x1  }
0x181: {  	[tilespmem:s30+$0x30] =	vst.add.f32.msk $0xffff, v3  }
0x182: {  	v3 =	vld [tilespmem:s26+$0x20];
	_ =	sdelay $0x3  }
.Ltmp13:
0x183: {  	(pc) =	sbr.rel @p2 .LBB2_16-.Ltmp13, $3  }
0x184: {  	v3 =	vmul.f32 v3, v4;
	_ =	sdelay $0x1  }
0x185: {  	s28 =	sadd.s32 $0x1, s28;
	[tilespmem:s30+$0x40] =	vst.add.f32.msk $0xffff, v3  }
0x186: {  	s29 =	sadd.s32 $0xFFFFFFFF, s29;
	s25 =	sadd.s32 $0x1, s25;
	v3 =	vld [tilespmem:s28+$0x0]  }
.Ltmp14:
0x187: {  	_ = 	snop;
	(pc) =	sbr.rel .LBB2_17-.Ltmp14, $1  }
0x188: {  	_ =	sdelay $0x3  }
.LBB2_15:
.Ltmp15:
0x189: {  	(pc) =	sbr.rel .LBB2_17-.Ltmp15, $2  }
0x18a: {  	_ =	sdelay $0x2  }
0x18b: {  	s26 =	smov.u32 s24  }
.LBB2_20:
0x18c: {  	_ =	sfence.sel $0x180000  }
0x18d: {  	[bflag:$0x0] =	sbarrier.arrive $0xFFFF  }
0x18e: {  	p0 =	sne.s32 s1, $0x0;
	_ =	strace $0x90000047  }
0x18f: {  	s0 =	sadd.s32 @!p0 $0x100000, s0;
	[bflag:$0x2] =	sbarrier.arrive $0xFFFF  }
0x190: {  	[sflag:s0] =	ssyncadd.tile.s32 @!p0 $0x1;
	_ =	shalt  }
.Lfunc_end2:
_tile_overlayer_lowered:
.L_overlay_start_2:
0x191: {  	(tag) =	ssettag $0x2  }
0x192: {  	s0 =	rddreg [dreg:$0x0];
	s2 =	stileid.u32  }
0x193: {  	s1 =	rddreg [dreg:$0x1];
	p0 =	sne.s32 s2, $0x0  }
0x194: {  	s3 =	rddreg [dreg:$0x2];
	[bflag:$0x3] =	sbarrier.arrive $0xFFFF;
	s2 =	simm.s32 @!p0 $0x1C09  }
0x195: {  	[timem:s3], [sflag:s2] =	dma.local @!p0 [hbm:s0], s1  }
0x196: {  	s0 =	simm.s32 @!p0 $0x9  }
0x197: {  	_ =	swait.ge @!p0 [sflag:s0], s1  }
0x198: {  	s1 =	ssub.s32 @!p0 $0x0, s1;
	[sflag:s0] =	ssyncset.done @!p0 $0x0  }
0x199: {  	[sflag:s0] =	ssyncadd.s32 @!p0 s1  }
0x19a: {  	[bflag:$0x3] =	sbarrier.arrive $0xFFFF  }
0x19b: {  	_ =	shalt  }

</sc_bundles>
